<compile_context>
chip_gen: v7x
topology: tpu7x:2x2x1
jax: 0.10.2.dev20260603
libtpu: 0.0.44.dev20260713+nightly
codegen_flags: <defaults>
</compile_context>

<pallas_src>
import functools

import jax
import jax.numpy as jnp
from jax import lax
from jax.experimental import pallas as pl
from jax.experimental.pallas import tpu as pltpu
from jax.experimental.pallas import tpu_sc as plsc

D = 128
B_ROWS = 4096
B_COLS = 50

_info = plsc.get_sparse_core_info()
NC = _info.num_cores
NS = _info.num_subcores
NW = NC * NS
SPAN = B_ROWS // NW
NBUF = 5

_mesh = plsc.VectorSubcoreMesh(core_axis_name="c", subcore_axis_name="s")


@functools.partial(
    pl.kernel,
    mesh=_mesh,
    out_type=jax.ShapeDtypeStruct((B_COLS, B_ROWS, D), jnp.float32),
    scratch_types=[
        pltpu.VMEM((B_COLS, SPAN), jnp.int32),
        pltpu.VMEM((NBUF, SPAN, D), jnp.float32),
        pltpu.SemaphoreType.DMA,
        pltpu.SemaphoreType.DMA,
        pltpu.SemaphoreType.DMA,
    ],
)
def _embed_gather(ids_hbm, table_hbm, out_hbm, idx_v, rows_v, gsem, wsem, ssem):
    wid = lax.axis_index("s") * NC + lax.axis_index("c")
    i0 = wid * SPAN

    LEAD = 8
    pltpu.sync_copy(
        ids_hbm.at[pl.ds(0, LEAD), pl.ds(i0, SPAN)],
        idx_v.at[pl.ds(0, LEAD)],
    )
    for b in range(NBUF):
        pltpu.async_copy(table_hbm.at[idx_v.at[b]], rows_v.at[b], gsem)
    rest = pltpu.make_async_copy(
        ids_hbm.at[pl.ds(LEAD, B_COLS - LEAD), pl.ds(i0, SPAN)],
        idx_v.at[pl.ds(LEAD, B_COLS - LEAD)],
        ssem,
    )
    rest.start()
    rest.wait()

    def outer(g, carry):
        for b in range(NBUF):
            j = g * NBUF + b
            pltpu.make_async_copy(
                table_hbm.at[idx_v.at[j]], rows_v.at[b], gsem
            ).wait()
            wb = pltpu.make_async_copy(
                rows_v.at[b],
                out_hbm.at[j, pl.ds(i0, SPAN)],
                wsem,
            )
            wb.start()

            @pl.when(j + NBUF < B_COLS)
            def _():
                wb.wait()
                pltpu.async_copy(
                    table_hbm.at[idx_v.at[j + NBUF]], rows_v.at[b], gsem
                )
        return carry

    lax.fori_loop(0, B_COLS // NBUF, outer, 0)

    for b in range(NBUF):
        j = B_COLS - NBUF + b
        pltpu.make_async_copy(
            rows_v.at[b],
            out_hbm.at[j, pl.ds(i0, SPAN)],
            wsem,
        ).wait()


def kernel(text_ids, table):
    ids_t = text_ids.astype(jnp.int32).T
    out_t = _embed_gather(ids_t, table)
    return out_t.transpose(1, 0, 2)

# --- scband reference (transcript-rebuilt; emitter-appended) ---
"""Pipeline reference for scband-voxcpm-text-embed-403726926216 (READ-ONLY COPY).

The authoritative reference and input builder live on the scoring server;
editing this copy changes nothing except your own understanding.
"""

import jax, jax.numpy as jnp
import numpy as np

VOCAB = 100000
EMBED_DIM = 128

def setup_inputs(seed: int = 0) -> dict:
    key = jax.random.key(seed)
    k1, k2 = jax.random.split(key)
    text_ids = jax.random.randint(k1, (4096, 50), 0, VOCAB, dtype=jnp.int64 if jax.config.jax_enable_x64 else jnp.int32)
    table = jax.random.normal(k2, (VOCAB, EMBED_DIM), dtype=jnp.float32) * 0.02
    return {"text_ids": text_ids, "table": table}

def reference(text_ids, table):
    # Faithful translation of voxcpm.base_lm.embed_tokens(text_ids):
    # a plain embedding-table row gather.
    text_embed = jnp.take(table, text_ids, axis=0)
    return text_embed

if __name__ == "__main__":
    import jax
    _d = setup_inputs()
    print(jax.jit(kernel)(*tuple(_d.values())))

</pallas_src>

<mosaic_0001>
#map = affine_map<(d0, d1) -> (0, 0)>
#map1 = affine_map<(d0, d1) -> (0, 0, 0)>
module attributes {stable_mosaic.version = 14 : i64} {
  func.func @_embed_gather(%arg0: i32, %arg1: i32, %arg2: memref<50x4096xi32, #tpu.memory_space<hbm>>, %arg3: memref<100000x128xf32, #tpu.memory_space<hbm>>, %arg4: memref<50x4096x128xf32, #tpu.memory_space<hbm>>, %arg5: memref<50x128xi32, #tpu.memory_space<vmem>>, %arg6: memref<5x128x128xf32, #tpu.memory_space<vmem>>, %arg7: memref<!tpu.dma_semaphore, #tpu.memory_space<semaphore_mem>>, %arg8: memref<!tpu.dma_semaphore, #tpu.memory_space<semaphore_mem>>, %arg9: memref<!tpu.dma_semaphore, #tpu.memory_space<semaphore_mem>>) attributes {dimension_semantics = [#tpu.dimension_semantics<core_parallel>, #tpu.dimension_semantics<subcore_parallel>], iteration_bounds = array<i64: 2, 16>, scalar_prefetch = 0 : i64, scratch_operands = 5 : i64, tpu.core_type = #tpu.core_type<sc_vector_subcore>, window_params = [{transform_indices = #map}, {transform_indices = #map}, {transform_indices = #map1}]} {
    %mul3A = arith.constant 2 : i32
    %mul3A_0 = arith.muli %arg1, %mul3A : i32
    %add3A = arith.addi %mul3A_0, %arg0 : i32
    %mul3A_1 = arith.constant 128 : i32
    %mul3A_2 = arith.muli %add3A, %mul3A_1 : i32
    "tpu.region"() ({
      %run_scoped3A = tpu.sem_alloc : memref<!tpu.dma_semaphore, #tpu.memory_space<semaphore_mem>>
      %dma_start3A_166 = arith.constant 0 : i32
      %dma_start3A_167 = arith.constant 0 : i32
      %dma_start3A_168 = tpu.memref_slice %arg5[%dma_start3A_166, %dma_start3A_167] : memref<50x128xi32, #tpu.memory_space<vmem>> -> memref<8x128xi32, #tpu.memory_space<vmem>>
      %dma_start3A_169 = arith.constant 0 : i32
      %dma_start3A_170 = tpu.memref_slice %arg2[%dma_start3A_169, %mul3A_2] : memref<50x4096xi32, #tpu.memory_space<hbm>> -> memref<8x128xi32, #tpu.memory_space<hbm>>
      %dma_start3A_171 = arith.constant 0 : i32
      %dma_start3A_172 = arith.constant 0 : i32
      %dma_start3A_173 = tpu.memref_slice %arg5[%dma_start3A_171, %dma_start3A_172] : memref<50x128xi32, #tpu.memory_space<vmem>> -> memref<8x128xi32, #tpu.memory_space<vmem>>
      %dma_start3A_174 = arith.constant 0 : i32
      %dma_start3A_175 = tpu.memref_slice %arg2[%dma_start3A_174, %mul3A_2] : memref<50x4096xi32, #tpu.memory_space<hbm>> -> memref<8x128xi32, #tpu.memory_space<hbm>>
      tpu.enqueue_dma source(%dma_start3A_175 : memref<8x128xi32, #tpu.memory_space<hbm>>) target(%dma_start3A_173 : memref<8x128xi32, #tpu.memory_space<vmem>>) target_semaphore(%run_scoped3A : memref<!tpu.dma_semaphore, #tpu.memory_space<semaphore_mem>>)
      %dma_wait3A_176 = arith.constant 0 : i32
      %dma_wait3A_177 = arith.constant 0 : i32
      %dma_wait3A_178 = tpu.memref_slice %arg5[%dma_wait3A_176, %dma_wait3A_177] : memref<50x128xi32, #tpu.memory_space<vmem>> -> memref<8x128xi32, #tpu.memory_space<vmem>>
      %dma_wait3A_179 = arith.constant 0 : i32
      %dma_wait3A_180 = tpu.memref_slice %arg2[%dma_wait3A_179, %mul3A_2] : memref<50x4096xi32, #tpu.memory_space<hbm>> -> memref<8x128xi32, #tpu.memory_space<hbm>>
      %dma_wait3A_181 = arith.constant 0 : i32
      %dma_wait3A_182 = arith.constant 0 : i32
      %dma_wait3A_183 = tpu.memref_slice %arg5[%dma_wait3A_181, %dma_wait3A_182] : memref<50x128xi32, #tpu.memory_space<vmem>> -> memref<8x128xi32, #tpu.memory_space<vmem>>
      %dma_wait3A_184 = arith.constant 0 : i32
      %dma_wait3A_185 = tpu.memref_slice %arg2[%dma_wait3A_184, %mul3A_2] : memref<50x4096xi32, #tpu.memory_space<hbm>> -> memref<8x128xi32, #tpu.memory_space<hbm>>
      tpu.wait_dma2 semaphore(%run_scoped3A : memref<!tpu.dma_semaphore, #tpu.memory_space<semaphore_mem>>) src(%dma_wait3A_185 : memref<8x128xi32, #tpu.memory_space<hbm>>) dst(%dma_wait3A_183 : memref<8x128xi32, #tpu.memory_space<vmem>>)
      tpu.yield
    }) : () -> ()
    %dma_start3A = arith.constant 0 : i32
    %dma_start3A_3 = arith.constant 0 : i32
    %dma_start3A_4 = arith.constant 0 : i32
    %dma_start3A_5 = arith.constant 0 : i32
    %dma_start3A_6 = tpu.memref_slice %arg6[%dma_start3A_3, %dma_start3A_4, %dma_start3A_5] : memref<5x128x128xf32, #tpu.memory_space<vmem>> -> memref<1x128x128xf32, #tpu.memory_space<vmem>>
    %dma_start3A_7 = tpu.memref_squeeze %dma_start3A_6 : memref<1x128x128xf32, #tpu.memory_space<vmem>> -> memref<128x128xf32, #tpu.memory_space<vmem>>
    %dma_start3A_8 = arith.constant 0 : i32
    %dma_start3A_9 = tpu.memref_slice %arg5[%dma_start3A, %dma_start3A_8] : memref<50x128xi32, #tpu.memory_space<vmem>> -> memref<1x128xi32, #tpu.memory_space<vmem>>
    %dma_start3A_10 = tpu.memref_squeeze %dma_start3A_9 : memref<1x128xi32, #tpu.memory_space<vmem>> -> memref<128xi32, #tpu.memory_space<vmem>>
    %dma_start3A_11 = arith.constant 0 : i32
    %dma_start3A_12 = arith.constant 0 : i32
    %dma_start3A_13 = tpu.memref_slice %arg3[%dma_start3A_11, %dma_start3A_12] : memref<100000x128xf32, #tpu.memory_space<hbm>> -> memref<100000x128xf32, #tpu.memory_space<hbm>>
    tpu.enqueue_indirect_dma source(%dma_start3A_13 : memref<100000x128xf32, #tpu.memory_space<hbm>>) target(%dma_start3A_7 : memref<128x128xf32, #tpu.memory_space<vmem>>) offsets(%dma_start3A_10 : memref<128xi32, #tpu.memory_space<vmem>>) semaphore(%arg7 : memref<!tpu.dma_semaphore, #tpu.memory_space<semaphore_mem>>)
    %dma_start3A_14 = arith.constant 1 : i32
    %dma_start3A_15 = arith.constant 1 : i32
    %dma_start3A_16 = arith.constant 0 : i32
    %dma_start3A_17 = arith.constant 0 : i32
    %dma_start3A_18 = tpu.memref_slice %arg6[%dma_start3A_15, %dma_start3A_16, %dma_start3A_17] : memref<5x128x128xf32, #tpu.memory_space<vmem>> -> memref<1x128x128xf32, #tpu.memory_space<vmem>>
    %dma_start3A_19 = tpu.memref_squeeze %dma_start3A_18 : memref<1x128x128xf32, #tpu.memory_space<vmem>> -> memref<128x128xf32, #tpu.memory_space<vmem>>
    %dma_start3A_20 = arith.constant 0 : i32
    %dma_start3A_21 = tpu.memref_slice %arg5[%dma_start3A_14, %dma_start3A_20] : memref<50x128xi32, #tpu.memory_space<vmem>> -> memref<1x128xi32, #tpu.memory_space<vmem>>
    %dma_start3A_22 = tpu.memref_squeeze %dma_start3A_21 : memref<1x128xi32, #tpu.memory_space<vmem>> -> memref<128xi32, #tpu.memory_space<vmem>>
    %dma_start3A_23 = arith.constant 0 : i32
    %dma_start3A_24 = arith.constant 0 : i32
    %dma_start3A_25 = tpu.memref_slice %arg3[%dma_start3A_23, %dma_start3A_24] : memref<100000x128xf32, #tpu.memory_space<hbm>> -> memref<100000x128xf32, #tpu.memory_space<hbm>>
    tpu.enqueue_indirect_dma source(%dma_start3A_25 : memref<100000x128xf32, #tpu.memory_space<hbm>>) target(%dma_start3A_19 : memref<128x128xf32, #tpu.memory_space<vmem>>) offsets(%dma_start3A_22 : memref<128xi32, #tpu.memory_space<vmem>>) semaphore(%arg7 : memref<!tpu.dma_semaphore, #tpu.memory_space<semaphore_mem>>)
    %dma_start3A_26 = arith.constant 2 : i32
    %dma_start3A_27 = arith.constant 2 : i32
    %dma_start3A_28 = arith.constant 0 : i32
    %dma_start3A_29 = arith.constant 0 : i32
    %dma_start3A_30 = tpu.memref_slice %arg6[%dma_start3A_27, %dma_start3A_28, %dma_start3A_29] : memref<5x128x128xf32, #tpu.memory_space<vmem>> -> memref<1x128x128xf32, #tpu.memory_space<vmem>>
    %dma_start3A_31 = tpu.memref_squeeze %dma_start3A_30 : memref<1x128x128xf32, #tpu.memory_space<vmem>> -> memref<128x128xf32, #tpu.memory_space<vmem>>
    %dma_start3A_32 = arith.constant 0 : i32
    %dma_start3A_33 = tpu.memref_slice %arg5[%dma_start3A_26, %dma_start3A_32] : memref<50x128xi32, #tpu.memory_space<vmem>> -> memref<1x128xi32, #tpu.memory_space<vmem>>
    %dma_start3A_34 = tpu.memref_squeeze %dma_start3A_33 : memref<1x128xi32, #tpu.memory_space<vmem>> -> memref<128xi32, #tpu.memory_space<vmem>>
    %dma_start3A_35 = arith.constant 0 : i32
    %dma_start3A_36 = arith.constant 0 : i32
    %dma_start3A_37 = tpu.memref_slice %arg3[%dma_start3A_35, %dma_start3A_36] : memref<100000x128xf32, #tpu.memory_space<hbm>> -> memref<100000x128xf32, #tpu.memory_space<hbm>>
    tpu.enqueue_indirect_dma source(%dma_start3A_37 : memref<100000x128xf32, #tpu.memory_space<hbm>>) target(%dma_start3A_31 : memref<128x128xf32, #tpu.memory_space<vmem>>) offsets(%dma_start3A_34 : memref<128xi32, #tpu.memory_space<vmem>>) semaphore(%arg7 : memref<!tpu.dma_semaphore, #tpu.memory_space<semaphore_mem>>)
    %dma_start3A_38 = arith.constant 3 : i32
    %dma_start3A_39 = arith.constant 3 : i32
    %dma_start3A_40 = arith.constant 0 : i32
    %dma_start3A_41 = arith.constant 0 : i32
    %dma_start3A_42 = tpu.memref_slice %arg6[%dma_start3A_39, %dma_start3A_40, %dma_start3A_41] : memref<5x128x128xf32, #tpu.memory_space<vmem>> -> memref<1x128x128xf32, #tpu.memory_space<vmem>>
    %dma_start3A_43 = tpu.memref_squeeze %dma_start3A_42 : memref<1x128x128xf32, #tpu.memory_space<vmem>> -> memref<128x128xf32, #tpu.memory_space<vmem>>
    %dma_start3A_44 = arith.constant 0 : i32
    %dma_start3A_45 = tpu.memref_slice %arg5[%dma_start3A_38, %dma_start3A_44] : memref<50x128xi32, #tpu.memory_space<vmem>> -> memref<1x128xi32, #tpu.memory_space<vmem>>
    %dma_start3A_46 = tpu.memref_squeeze %dma_start3A_45 : memref<1x128xi32, #tpu.memory_space<vmem>> -> memref<128xi32, #tpu.memory_space<vmem>>
    %dma_start3A_47 = arith.constant 0 : i32
    %dma_start3A_48 = arith.constant 0 : i32
    %dma_start3A_49 = tpu.memref_slice %arg3[%dma_start3A_47, %dma_start3A_48] : memref<100000x128xf32, #tpu.memory_space<hbm>> -> memref<100000x128xf32, #tpu.memory_space<hbm>>
    tpu.enqueue_indirect_dma source(%dma_start3A_49 : memref<100000x128xf32, #tpu.memory_space<hbm>>) target(%dma_start3A_43 : memref<128x128xf32, #tpu.memory_space<vmem>>) offsets(%dma_start3A_46 : memref<128xi32, #tpu.memory_space<vmem>>) semaphore(%arg7 : memref<!tpu.dma_semaphore, #tpu.memory_space<semaphore_mem>>)
    %dma_start3A_50 = arith.constant 4 : i32
    %dma_start3A_51 = arith.constant 4 : i32
    %dma_start3A_52 = arith.constant 0 : i32
    %dma_start3A_53 = arith.constant 0 : i32
    %dma_start3A_54 = tpu.memref_slice %arg6[%dma_start3A_51, %dma_start3A_52, %dma_start3A_53] : memref<5x128x128xf32, #tpu.memory_space<vmem>> -> memref<1x128x128xf32, #tpu.memory_space<vmem>>
    %dma_start3A_55 = tpu.memref_squeeze %dma_start3A_54 : memref<1x128x128xf32, #tpu.memory_space<vmem>> -> memref<128x128xf32, #tpu.memory_space<vmem>>
    %dma_start3A_56 = arith.constant 0 : i32
    %dma_start3A_57 = tpu.memref_slice %arg5[%dma_start3A_50, %dma_start3A_56] : memref<50x128xi32, #tpu.memory_space<vmem>> -> memref<1x128xi32, #tpu.memory_space<vmem>>
    %dma_start3A_58 = tpu.memref_squeeze %dma_start3A_57 : memref<1x128xi32, #tpu.memory_space<vmem>> -> memref<128xi32, #tpu.memory_space<vmem>>
    %dma_start3A_59 = arith.constant 0 : i32
    %dma_start3A_60 = arith.constant 0 : i32
    %dma_start3A_61 = tpu.memref_slice %arg3[%dma_start3A_59, %dma_start3A_60] : memref<100000x128xf32, #tpu.memory_space<hbm>> -> memref<100000x128xf32, #tpu.memory_space<hbm>>
    tpu.enqueue_indirect_dma source(%dma_start3A_61 : memref<100000x128xf32, #tpu.memory_space<hbm>>) target(%dma_start3A_55 : memref<128x128xf32, #tpu.memory_space<vmem>>) offsets(%dma_start3A_58 : memref<128xi32, #tpu.memory_space<vmem>>) semaphore(%arg7 : memref<!tpu.dma_semaphore, #tpu.memory_space<semaphore_mem>>)
    %dma_start3A_62 = arith.constant 8 : i32
    %dma_start3A_63 = arith.constant 0 : i32
    %dma_start3A_64 = tpu.memref_slice %arg5[%dma_start3A_62, %dma_start3A_63] : memref<50x128xi32, #tpu.memory_space<vmem>> -> memref<42x128xi32, #tpu.memory_space<vmem>>
    %dma_start3A_65 = arith.constant 8 : i32
    %dma_start3A_66 = tpu.memref_slice %arg2[%dma_start3A_65, %mul3A_2] : memref<50x4096xi32, #tpu.memory_space<hbm>> -> memref<42x128xi32, #tpu.memory_space<hbm>>
    %dma_start3A_67 = arith.constant 8 : i32
    %dma_start3A_68 = arith.constant 0 : i32
    %dma_start3A_69 = tpu.memref_slice %arg5[%dma_start3A_67, %dma_start3A_68] : memref<50x128xi32, #tpu.memory_space<vmem>> -> memref<42x128xi32, #tpu.memory_space<vmem>>
    %dma_start3A_70 = arith.constant 8 : i32
    %dma_start3A_71 = tpu.memref_slice %arg2[%dma_start3A_70, %mul3A_2] : memref<50x4096xi32, #tpu.memory_space<hbm>> -> memref<42x128xi32, #tpu.memory_space<hbm>>
    tpu.enqueue_dma source(%dma_start3A_71 : memref<42x128xi32, #tpu.memory_space<hbm>>) target(%dma_start3A_69 : memref<42x128xi32, #tpu.memory_space<vmem>>) target_semaphore(%arg9 : memref<!tpu.dma_semaphore, #tpu.memory_space<semaphore_mem>>)
    %dma_wait3A = arith.constant 8 : i32
    %dma_wait3A_72 = arith.constant 0 : i32
    %dma_wait3A_73 = tpu.memref_slice %arg5[%dma_wait3A, %dma_wait3A_72] : memref<50x128xi32, #tpu.memory_space<vmem>> -> memref<42x128xi32, #tpu.memory_space<vmem>>
    %dma_wait3A_74 = arith.constant 8 : i32
    %dma_wait3A_75 = tpu.memref_slice %arg2[%dma_wait3A_74, %mul3A_2] : memref<50x4096xi32, #tpu.memory_space<hbm>> -> memref<42x128xi32, #tpu.memory_space<hbm>>
    %dma_wait3A_76 = arith.constant 8 : i32
    %dma_wait3A_77 = arith.constant 0 : i32
    %dma_wait3A_78 = tpu.memref_slice %arg5[%dma_wait3A_76, %dma_wait3A_77] : memref<50x128xi32, #tpu.memory_space<vmem>> -> memref<42x128xi32, #tpu.memory_space<vmem>>
    %dma_wait3A_79 = arith.constant 8 : i32
    %dma_wait3A_80 = tpu.memref_slice %arg2[%dma_wait3A_79, %mul3A_2] : memref<50x4096xi32, #tpu.memory_space<hbm>> -> memref<42x128xi32, #tpu.memory_space<hbm>>
    tpu.wait_dma2 semaphore(%arg9 : memref<!tpu.dma_semaphore, #tpu.memory_space<semaphore_mem>>) src(%dma_wait3A_80 : memref<42x128xi32, #tpu.memory_space<hbm>>) dst(%dma_wait3A_78 : memref<42x128xi32, #tpu.memory_space<vmem>>)
    %scan3A = arith.constant 0 : i32
    %scan3A_81 = arith.constant 0 : i32
    %scan3A_82 = arith.constant 10 : i32
    %scan3A_83 = arith.addi %scan3A_81, %scan3A_82 : i32
    %scan3A_84 = arith.constant 1 : i32
    scf.for %scan3A_166 = %scan3A_81 to %scan3A_83 step %scan3A_84  : i32 {
      %mul3A_167 = arith.constant 5 : i32
      %mul3A_168 = arith.muli %scan3A_166, %mul3A_167 : i32
      %add3A_169 = arith.constant 0 : i32
      %add3A_170 = arith.addi %mul3A_168, %add3A_169 : i32
      %dma_wait3A_171 = arith.constant 0 : i32
      %dma_wait3A_172 = arith.constant 0 : i32
      %dma_wait3A_173 = arith.constant 0 : i32
      %dma_wait3A_174 = tpu.memref_slice %arg6[%dma_wait3A_171, %dma_wait3A_172, %dma_wait3A_173] : memref<5x128x128xf32, #tpu.memory_space<vmem>> -> memref<1x128x128xf32, #tpu.memory_space<vmem>>
      %dma_wait3A_175 = tpu.memref_squeeze %dma_wait3A_174 : memref<1x128x128xf32, #tpu.memory_space<vmem>> -> memref<128x128xf32, #tpu.memory_space<vmem>>
      %dma_wait3A_176 = arith.constant 0 : i32
      %dma_wait3A_177 = tpu.memref_slice %arg5[%add3A_170, %dma_wait3A_176] : memref<50x128xi32, #tpu.memory_space<vmem>> -> memref<1x128xi32, #tpu.memory_space<vmem>>
      %dma_wait3A_178 = tpu.memref_squeeze %dma_wait3A_177 : memref<1x128xi32, #tpu.memory_space<vmem>> -> memref<128xi32, #tpu.memory_space<vmem>>
      %dma_wait3A_179 = arith.constant 0 : i32
      %dma_wait3A_180 = arith.constant 0 : i32
      %dma_wait3A_181 = tpu.memref_slice %arg3[%dma_wait3A_179, %dma_wait3A_180] : memref<100000x128xf32, #tpu.memory_space<hbm>> -> memref<100000x128xf32, #tpu.memory_space<hbm>>
      tpu.wait_indirect_dma semaphore(%arg7 : memref<!tpu.dma_semaphore, #tpu.memory_space<semaphore_mem>>) src(%dma_wait3A_181 : memref<100000x128xf32, #tpu.memory_space<hbm>>) dst(%dma_wait3A_175 : memref<128x128xf32, #tpu.memory_space<vmem>>)
      %dma_start3A_182 = arith.constant 0 : i32
      %dma_start3A_183 = arith.constant 0 : i32
      %dma_start3A_184 = arith.constant 0 : i32
      %dma_start3A_185 = tpu.memref_slice %arg6[%dma_start3A_182, %dma_start3A_183, %dma_start3A_184] : memref<5x128x128xf32, #tpu.memory_space<vmem>> -> memref<1x128x128xf32, #tpu.memory_space<vmem>>
      %dma_start3A_186 = tpu.memref_squeeze %dma_start3A_185 : memref<1x128x128xf32, #tpu.memory_space<vmem>> -> memref<128x128xf32, #tpu.memory_space<vmem>>
      %dma_start3A_187 = arith.constant 0 : i32
      %dma_start3A_188 = tpu.memref_slice %arg4[%add3A_170, %mul3A_2, %dma_start3A_187] : memref<50x4096x128xf32, #tpu.memory_space<hbm>> -> memref<1x128x128xf32, #tpu.memory_space<hbm>>
      %dma_start3A_189 = tpu.memref_squeeze %dma_start3A_188 : memref<1x128x128xf32, #tpu.memory_space<hbm>> -> memref<128x128xf32, #tpu.memory_space<hbm>>
      %dma_start3A_190 = arith.constant 0 : i32
      %dma_start3A_191 = tpu.memref_slice %arg4[%add3A_170, %mul3A_2, %dma_start3A_190] : memref<50x4096x128xf32, #tpu.memory_space<hbm>> -> memref<1x128x128xf32, #tpu.memory_space<hbm>>
      %dma_start3A_192 = tpu.memref_squeeze %dma_start3A_191 : memref<1x128x128xf32, #tpu.memory_space<hbm>> -> memref<128x128xf32, #tpu.memory_space<hbm>>
      %dma_start3A_193 = arith.constant 0 : i32
      %dma_start3A_194 = arith.constant 0 : i32
      %dma_start3A_195 = tpu.memref_slice %arg6[%dma_start3A_182, %dma_start3A_193, %dma_start3A_194] : memref<5x128x128xf32, #tpu.memory_space<vmem>> -> memref<1x128x128xf32, #tpu.memory_space<vmem>>
      %dma_start3A_196 = tpu.memref_squeeze %dma_start3A_195 : memref<1x128x128xf32, #tpu.memory_space<vmem>> -> memref<128x128xf32, #tpu.memory_space<vmem>>
      tpu.enqueue_dma source(%dma_start3A_196 : memref<128x128xf32, #tpu.memory_space<vmem>>) target(%dma_start3A_192 : memref<128x128xf32, #tpu.memory_space<hbm>>) target_semaphore(%arg8 : memref<!tpu.dma_semaphore, #tpu.memory_space<semaphore_mem>>)
      %add3A_197 = arith.constant 5 : i32
      %add3A_198 = arith.addi %add3A_170, %add3A_197 : i32
      %lt3A = arith.constant 50 : i32
      %lt3A_199 = arith.cmpi slt, %add3A_198, %lt3A : i32
      %convert_element_type3A = arith.extui %lt3A_199 : i1 to i32
      %cond3A = arith.constant 0 : i32
      %cond3A_200 = arith.constant 0 : i32
      %cond3A_201 = arith.cmpi ne, %convert_element_type3A, %cond3A_200 : i32
      scf.if %cond3A_201 {
        %dma_wait3A_354 = arith.constant 0 : i32
        %dma_wait3A_355 = arith.constant 0 : i32
        %dma_wait3A_356 = tpu.memref_slice %arg6[%cond3A, %dma_wait3A_354, %dma_wait3A_355] : memref<5x128x128xf32, #tpu.memory_space<vmem>> -> memref<1x128x128xf32, #tpu.memory_space<vmem>>
        %dma_wait3A_357 = tpu.memref_squeeze %dma_wait3A_356 : memref<1x128x128xf32, #tpu.memory_space<vmem>> -> memref<128x128xf32, #tpu.memory_space<vmem>>
        %dma_wait3A_358 = arith.constant 0 : i32
        %dma_wait3A_359 = tpu.memref_slice %arg4[%add3A_170, %mul3A_2, %dma_wait3A_358] : memref<50x4096x128xf32, #tpu.memory_space<hbm>> -> memref<1x128x128xf32, #tpu.memory_space<hbm>>
        %dma_wait3A_360 = tpu.memref_squeeze %dma_wait3A_359 : memref<1x128x128xf32, #tpu.memory_space<hbm>> -> memref<128x128xf32, #tpu.memory_space<hbm>>
        %dma_wait3A_361 = arith.constant 0 : i32
        %dma_wait3A_362 = tpu.memref_slice %arg4[%add3A_170, %mul3A_2, %dma_wait3A_361] : memref<50x4096x128xf32, #tpu.memory_space<hbm>> -> memref<1x128x128xf32, #tpu.memory_space<hbm>>
        %dma_wait3A_363 = tpu.memref_squeeze %dma_wait3A_362 : memref<1x128x128xf32, #tpu.memory_space<hbm>> -> memref<128x128xf32, #tpu.memory_space<hbm>>
        %dma_wait3A_364 = arith.constant 0 : i32
        %dma_wait3A_365 = arith.constant 0 : i32
        %dma_wait3A_366 = tpu.memref_slice %arg6[%cond3A, %dma_wait3A_364, %dma_wait3A_365] : memref<5x128x128xf32, #tpu.memory_space<vmem>> -> memref<1x128x128xf32, #tpu.memory_space<vmem>>
        %dma_wait3A_367 = tpu.memref_squeeze %dma_wait3A_366 : memref<1x128x128xf32, #tpu.memory_space<vmem>> -> memref<128x128xf32, #tpu.memory_space<vmem>>
        tpu.wait_dma2 semaphore(%arg8 : memref<!tpu.dma_semaphore, #tpu.memory_space<semaphore_mem>>) src(%dma_wait3A_367 : memref<128x128xf32, #tpu.memory_space<vmem>>) dst(%dma_wait3A_363 : memref<128x128xf32, #tpu.memory_space<hbm>>)
        %add3A_368 = arith.constant 5 : i32
        %add3A_369 = arith.addi %add3A_170, %add3A_368 : i32
        %dma_start3A_370 = arith.constant 0 : i32
        %dma_start3A_371 = arith.constant 0 : i32
        %dma_start3A_372 = arith.constant 0 : i32
        %dma_start3A_373 = tpu.memref_slice %arg6[%dma_start3A_370, %dma_start3A_371, %dma_start3A_372] : memref<5x128x128xf32, #tpu.memory_space<vmem>> -> memref<1x128x128xf32, #tpu.memory_space<vmem>>
        %dma_start3A_374 = tpu.memref_squeeze %dma_start3A_373 : memref<1x128x128xf32, #tpu.memory_space<vmem>> -> memref<128x128xf32, #tpu.memory_space<vmem>>
        %dma_start3A_375 = arith.constant 0 : i32
        %dma_start3A_376 = tpu.memref_slice %arg5[%add3A_369, %dma_start3A_375] : memref<50x128xi32, #tpu.memory_space<vmem>> -> memref<1x128xi32, #tpu.memory_space<vmem>>
        %dma_start3A_377 = tpu.memref_squeeze %dma_start3A_376 : memref<1x128xi32, #tpu.memory_space<vmem>> -> memref<128xi32, #tpu.memory_space<vmem>>
        %dma_start3A_378 = arith.constant 0 : i32
        %dma_start3A_379 = arith.constant 0 : i32
        %dma_start3A_380 = tpu.memref_slice %arg3[%dma_start3A_378, %dma_start3A_379] : memref<100000x128xf32, #tpu.memory_space<hbm>> -> memref<100000x128xf32, #tpu.memory_space<hbm>>
        tpu.enqueue_indirect_dma source(%dma_start3A_380 : memref<100000x128xf32, #tpu.memory_space<hbm>>) target(%dma_start3A_374 : memref<128x128xf32, #tpu.memory_space<vmem>>) offsets(%dma_start3A_377 : memref<128xi32, #tpu.memory_space<vmem>>) semaphore(%arg7 : memref<!tpu.dma_semaphore, #tpu.memory_space<semaphore_mem>>)
      } else {
      }
      %mul3A_202 = arith.constant 5 : i32
      %mul3A_203 = arith.muli %scan3A_166, %mul3A_202 : i32
      %add3A_204 = arith.constant 1 : i32
      %add3A_205 = arith.addi %mul3A_203, %add3A_204 : i32
      %dma_wait3A_206 = arith.constant 1 : i32
      %dma_wait3A_207 = arith.constant 0 : i32
      %dma_wait3A_208 = arith.constant 0 : i32
      %dma_wait3A_209 = tpu.memref_slice %arg6[%dma_wait3A_206, %dma_wait3A_207, %dma_wait3A_208] : memref<5x128x128xf32, #tpu.memory_space<vmem>> -> memref<1x128x128xf32, #tpu.memory_space<vmem>>
      %dma_wait3A_210 = tpu.memref_squeeze %dma_wait3A_209 : memref<1x128x128xf32, #tpu.memory_space<vmem>> -> memref<128x128xf32, #tpu.memory_space<vmem>>
      %dma_wait3A_211 = arith.constant 0 : i32
      %dma_wait3A_212 = tpu.memref_slice %arg5[%add3A_205, %dma_wait3A_211] : memref<50x128xi32, #tpu.memory_space<vmem>> -> memref<1x128xi32, #tpu.memory_space<vmem>>
      %dma_wait3A_213 = tpu.memref_squeeze %dma_wait3A_212 : memref<1x128xi32, #tpu.memory_space<vmem>> -> memref<128xi32, #tpu.memory_space<vmem>>
      %dma_wait3A_214 = arith.constant 0 : i32
      %dma_wait3A_215 = arith.constant 0 : i32
      %dma_wait3A_216 = tpu.memref_slice %arg3[%dma_wait3A_214, %dma_wait3A_215] : memref<100000x128xf32, #tpu.memory_space<hbm>> -> memref<100000x128xf32, #tpu.memory_space<hbm>>
      tpu.wait_indirect_dma semaphore(%arg7 : memref<!tpu.dma_semaphore, #tpu.memory_space<semaphore_mem>>) src(%dma_wait3A_216 : memref<100000x128xf32, #tpu.memory_space<hbm>>) dst(%dma_wait3A_210 : memref<128x128xf32, #tpu.memory_space<vmem>>)
      %dma_start3A_217 = arith.constant 1 : i32
      %dma_start3A_218 = arith.constant 0 : i32
      %dma_start3A_219 = arith.constant 0 : i32
      %dma_start3A_220 = tpu.memref_slice %arg6[%dma_start3A_217, %dma_start3A_218, %dma_start3A_219] : memref<5x128x128xf32, #tpu.memory_space<vmem>> -> memref<1x128x128xf32, #tpu.memory_space<vmem>>
      %dma_start3A_221 = tpu.memref_squeeze %dma_start3A_220 : memref<1x128x128xf32, #tpu.memory_space<vmem>> -> memref<128x128xf32, #tpu.memory_space<vmem>>
      %dma_start3A_222 = arith.constant 0 : i32
      %dma_start3A_223 = tpu.memref_slice %arg4[%add3A_205, %mul3A_2, %dma_start3A_222] : memref<50x4096x128xf32, #tpu.memory_space<hbm>> -> memref<1x128x128xf32, #tpu.memory_space<hbm>>
      %dma_start3A_224 = tpu.memref_squeeze %dma_start3A_223 : memref<1x128x128xf32, #tpu.memory_space<hbm>> -> memref<128x128xf32, #tpu.memory_space<hbm>>
      %dma_start3A_225 = arith.constant 0 : i32
      %dma_start3A_226 = tpu.memref_slice %arg4[%add3A_205, %mul3A_2, %dma_start3A_225] : memref<50x4096x128xf32, #tpu.memory_space<hbm>> -> memref<1x128x128xf32, #tpu.memory_space<hbm>>
      %dma_start3A_227 = tpu.memref_squeeze %dma_start3A_226 : memref<1x128x128xf32, #tpu.memory_space<hbm>> -> memref<128x128xf32, #tpu.memory_space<hbm>>
      %dma_start3A_228 = arith.constant 0 : i32
      %dma_start3A_229 = arith.constant 0 : i32
      %dma_start3A_230 = tpu.memref_slice %arg6[%dma_start3A_217, %dma_start3A_228, %dma_start3A_229] : memref<5x128x128xf32, #tpu.memory_space<vmem>> -> memref<1x128x128xf32, #tpu.memory_space<vmem>>
      %dma_start3A_231 = tpu.memref_squeeze %dma_start3A_230 : memref<1x128x128xf32, #tpu.memory_space<vmem>> -> memref<128x128xf32, #tpu.memory_space<vmem>>
      tpu.enqueue_dma source(%dma_start3A_231 : memref<128x128xf32, #tpu.memory_space<vmem>>) target(%dma_start3A_227 : memref<128x128xf32, #tpu.memory_space<hbm>>) target_semaphore(%arg8 : memref<!tpu.dma_semaphore, #tpu.memory_space<semaphore_mem>>)
      %add3A_232 = arith.constant 5 : i32
      %add3A_233 = arith.addi %add3A_205, %add3A_232 : i32
      %lt3A_234 = arith.constant 50 : i32
      %lt3A_235 = arith.cmpi slt, %add3A_233, %lt3A_234 : i32
      %convert_element_type3A_236 = arith.extui %lt3A_235 : i1 to i32
      %cond3A_237 = arith.constant 1 : i32
      %cond3A_238 = arith.constant 0 : i32
      %cond3A_239 = arith.cmpi ne, %convert_element_type3A_236, %cond3A_238 : i32
      scf.if %cond3A_239 {
        %dma_wait3A_354 = arith.constant 0 : i32
        %dma_wait3A_355 = arith.constant 0 : i32
        %dma_wait3A_356 = tpu.memref_slice %arg6[%cond3A_237, %dma_wait3A_354, %dma_wait3A_355] : memref<5x128x128xf32, #tpu.memory_space<vmem>> -> memref<1x128x128xf32, #tpu.memory_space<vmem>>
        %dma_wait3A_357 = tpu.memref_squeeze %dma_wait3A_356 : memref<1x128x128xf32, #tpu.memory_space<vmem>> -> memref<128x128xf32, #tpu.memory_space<vmem>>
        %dma_wait3A_358 = arith.constant 0 : i32
        %dma_wait3A_359 = tpu.memref_slice %arg4[%add3A_205, %mul3A_2, %dma_wait3A_358] : memref<50x4096x128xf32, #tpu.memory_space<hbm>> -> memref<1x128x128xf32, #tpu.memory_space<hbm>>
        %dma_wait3A_360 = tpu.memref_squeeze %dma_wait3A_359 : memref<1x128x128xf32, #tpu.memory_space<hbm>> -> memref<128x128xf32, #tpu.memory_space<hbm>>
        %dma_wait3A_361 = arith.constant 0 : i32
        %dma_wait3A_362 = tpu.memref_slice %arg4[%add3A_205, %mul3A_2, %dma_wait3A_361] : memref<50x4096x128xf32, #tpu.memory_space<hbm>> -> memref<1x128x128xf32, #tpu.memory_space<hbm>>
        %dma_wait3A_363 = tpu.memref_squeeze %dma_wait3A_362 : memref<1x128x128xf32, #tpu.memory_space<hbm>> -> memref<128x128xf32, #tpu.memory_space<hbm>>
        %dma_wait3A_364 = arith.constant 0 : i32
        %dma_wait3A_365 = arith.constant 0 : i32
        %dma_wait3A_366 = tpu.memref_slice %arg6[%cond3A_237, %dma_wait3A_364, %dma_wait3A_365] : memref<5x128x128xf32, #tpu.memory_space<vmem>> -> memref<1x128x128xf32, #tpu.memory_space<vmem>>
        %dma_wait3A_367 = tpu.memref_squeeze %dma_wait3A_366 : memref<1x128x128xf32, #tpu.memory_space<vmem>> -> memref<128x128xf32, #tpu.memory_space<vmem>>
        tpu.wait_dma2 semaphore(%arg8 : memref<!tpu.dma_semaphore, #tpu.memory_space<semaphore_mem>>) src(%dma_wait3A_367 : memref<128x128xf32, #tpu.memory_space<vmem>>) dst(%dma_wait3A_363 : memref<128x128xf32, #tpu.memory_space<hbm>>)
        %add3A_368 = arith.constant 5 : i32
        %add3A_369 = arith.addi %add3A_205, %add3A_368 : i32
        %dma_start3A_370 = arith.constant 1 : i32
        %dma_start3A_371 = arith.constant 0 : i32
        %dma_start3A_372 = arith.constant 0 : i32
        %dma_start3A_373 = tpu.memref_slice %arg6[%dma_start3A_370, %dma_start3A_371, %dma_start3A_372] : memref<5x128x128xf32, #tpu.memory_space<vmem>> -> memref<1x128x128xf32, #tpu.memory_space<vmem>>
        %dma_start3A_374 = tpu.memref_squeeze %dma_start3A_373 : memref<1x128x128xf32, #tpu.memory_space<vmem>> -> memref<128x128xf32, #tpu.memory_space<vmem>>
        %dma_start3A_375 = arith.constant 0 : i32
        %dma_start3A_376 = tpu.memref_slice %arg5[%add3A_369, %dma_start3A_375] : memref<50x128xi32, #tpu.memory_space<vmem>> -> memref<1x128xi32, #tpu.memory_space<vmem>>
        %dma_start3A_377 = tpu.memref_squeeze %dma_start3A_376 : memref<1x128xi32, #tpu.memory_space<vmem>> -> memref<128xi32, #tpu.memory_space<vmem>>
        %dma_start3A_378 = arith.constant 0 : i32
        %dma_start3A_379 = arith.constant 0 : i32
        %dma_start3A_380 = tpu.memref_slice %arg3[%dma_start3A_378, %dma_start3A_379] : memref<100000x128xf32, #tpu.memory_space<hbm>> -> memref<100000x128xf32, #tpu.memory_space<hbm>>
        tpu.enqueue_indirect_dma source(%dma_start3A_380 : memref<100000x128xf32, #tpu.memory_space<hbm>>) target(%dma_start3A_374 : memref<128x128xf32, #tpu.memory_space<vmem>>) offsets(%dma_start3A_377 : memref<128xi32, #tpu.memory_space<vmem>>) semaphore(%arg7 : memref<!tpu.dma_semaphore, #tpu.memory_space<semaphore_mem>>)
      } else {
      }
      %mul3A_240 = arith.constant 5 : i32
      %mul3A_241 = arith.muli %scan3A_166, %mul3A_240 : i32
      %add3A_242 = arith.constant 2 : i32
      %add3A_243 = arith.addi %mul3A_241, %add3A_242 : i32
      %dma_wait3A_244 = arith.constant 2 : i32
      %dma_wait3A_245 = arith.constant 0 : i32
      %dma_wait3A_246 = arith.constant 0 : i32
      %dma_wait3A_247 = tpu.memref_slice %arg6[%dma_wait3A_244, %dma_wait3A_245, %dma_wait3A_246] : memref<5x128x128xf32, #tpu.memory_space<vmem>> -> memref<1x128x128xf32, #tpu.memory_space<vmem>>
      %dma_wait3A_248 = tpu.memref_squeeze %dma_wait3A_247 : memref<1x128x128xf32, #tpu.memory_space<vmem>> -> memref<128x128xf32, #tpu.memory_space<vmem>>
      %dma_wait3A_249 = arith.constant 0 : i32
      %dma_wait3A_250 = tpu.memref_slice %arg5[%add3A_243, %dma_wait3A_249] : memref<50x128xi32, #tpu.memory_space<vmem>> -> memref<1x128xi32, #tpu.memory_space<vmem>>
      %dma_wait3A_251 = tpu.memref_squeeze %dma_wait3A_250 : memref<1x128xi32, #tpu.memory_space<vmem>> -> memref<128xi32, #tpu.memory_space<vmem>>
      %dma_wait3A_252 = arith.constant 0 : i32
      %dma_wait3A_253 = arith.constant 0 : i32
      %dma_wait3A_254 = tpu.memref_slice %arg3[%dma_wait3A_252, %dma_wait3A_253] : memref<100000x128xf32, #tpu.memory_space<hbm>> -> memref<100000x128xf32, #tpu.memory_space<hbm>>
      tpu.wait_indirect_dma semaphore(%arg7 : memref<!tpu.dma_semaphore, #tpu.memory_space<semaphore_mem>>) src(%dma_wait3A_254 : memref<100000x128xf32, #tpu.memory_space<hbm>>) dst(%dma_wait3A_248 : memref<128x128xf32, #tpu.memory_space<vmem>>)
      %dma_start3A_255 = arith.constant 2 : i32
      %dma_start3A_256 = arith.constant 0 : i32
      %dma_start3A_257 = arith.constant 0 : i32
      %dma_start3A_258 = tpu.memref_slice %arg6[%dma_start3A_255, %dma_start3A_256, %dma_start3A_257] : memref<5x128x128xf32, #tpu.memory_space<vmem>> -> memref<1x128x128xf32, #tpu.memory_space<vmem>>
      %dma_start3A_259 = tpu.memref_squeeze %dma_start3A_258 : memref<1x128x128xf32, #tpu.memory_space<vmem>> -> memref<128x128xf32, #tpu.memory_space<vmem>>
      %dma_start3A_260 = arith.constant 0 : i32
      %dma_start3A_261 = tpu.memref_slice %arg4[%add3A_243, %mul3A_2, %dma_start3A_260] : memref<50x4096x128xf32, #tpu.memory_space<hbm>> -> memref<1x128x128xf32, #tpu.memory_space<hbm>>
      %dma_start3A_262 = tpu.memref_squeeze %dma_start3A_261 : memref<1x128x128xf32, #tpu.memory_space<hbm>> -> memref<128x128xf32, #tpu.memory_space<hbm>>
      %dma_start3A_263 = arith.constant 0 : i32
      %dma_start3A_264 = tpu.memref_slice %arg4[%add3A_243, %mul3A_2, %dma_start3A_263] : memref<50x4096x128xf32, #tpu.memory_space<hbm>> -> memref<1x128x128xf32, #tpu.memory_space<hbm>>
      %dma_start3A_265 = tpu.memref_squeeze %dma_start3A_264 : memref<1x128x128xf32, #tpu.memory_space<hbm>> -> memref<128x128xf32, #tpu.memory_space<hbm>>
      %dma_start3A_266 = arith.constant 0 : i32
      %dma_start3A_267 = arith.constant 0 : i32
      %dma_start3A_268 = tpu.memref_slice %arg6[%dma_start3A_255, %dma_start3A_266, %dma_start3A_267] : memref<5x128x128xf32, #tpu.memory_space<vmem>> -> memref<1x128x128xf32, #tpu.memory_space<vmem>>
      %dma_start3A_269 = tpu.memref_squeeze %dma_start3A_268 : memref<1x128x128xf32, #tpu.memory_space<vmem>> -> memref<128x128xf32, #tpu.memory_space<vmem>>
      tpu.enqueue_dma source(%dma_start3A_269 : memref<128x128xf32, #tpu.memory_space<vmem>>) target(%dma_start3A_265 : memref<128x128xf32, #tpu.memory_space<hbm>>) target_semaphore(%arg8 : memref<!tpu.dma_semaphore, #tpu.memory_space<semaphore_mem>>)
      %add3A_270 = arith.constant 5 : i32
      %add3A_271 = arith.addi %add3A_243, %add3A_270 : i32
      %lt3A_272 = arith.constant 50 : i32
      %lt3A_273 = arith.cmpi slt, %add3A_271, %lt3A_272 : i32
      %convert_element_type3A_274 = arith.extui %lt3A_273 : i1 to i32
      %cond3A_275 = arith.constant 2 : i32
      %cond3A_276 = arith.constant 0 : i32
      %cond3A_277 = arith.cmpi ne, %convert_element_type3A_274, %cond3A_276 : i32
      scf.if %cond3A_277 {
        %dma_wait3A_354 = arith.constant 0 : i32
        %dma_wait3A_355 = arith.constant 0 : i32
        %dma_wait3A_356 = tpu.memref_slice %arg6[%cond3A_275, %dma_wait3A_354, %dma_wait3A_355] : memref<5x128x128xf32, #tpu.memory_space<vmem>> -> memref<1x128x128xf32, #tpu.memory_space<vmem>>
        %dma_wait3A_357 = tpu.memref_squeeze %dma_wait3A_356 : memref<1x128x128xf32, #tpu.memory_space<vmem>> -> memref<128x128xf32, #tpu.memory_space<vmem>>
        %dma_wait3A_358 = arith.constant 0 : i32
        %dma_wait3A_359 = tpu.memref_slice %arg4[%add3A_243, %mul3A_2, %dma_wait3A_358] : memref<50x4096x128xf32, #tpu.memory_space<hbm>> -> memref<1x128x128xf32, #tpu.memory_space<hbm>>
        %dma_wait3A_360 = tpu.memref_squeeze %dma_wait3A_359 : memref<1x128x128xf32, #tpu.memory_space<hbm>> -> memref<128x128xf32, #tpu.memory_space<hbm>>
        %dma_wait3A_361 = arith.constant 0 : i32
        %dma_wait3A_362 = tpu.memref_slice %arg4[%add3A_243, %mul3A_2, %dma_wait3A_361] : memref<50x4096x128xf32, #tpu.memory_space<hbm>> -> memref<1x128x128xf32, #tpu.memory_space<hbm>>
        %dma_wait3A_363 = tpu.memref_squeeze %dma_wait3A_362 : memref<1x128x128xf32, #tpu.memory_space<hbm>> -> memref<128x128xf32, #tpu.memory_space<hbm>>
        %dma_wait3A_364 = arith.constant 0 : i32
        %dma_wait3A_365 = arith.constant 0 : i32
        %dma_wait3A_366 = tpu.memref_slice %arg6[%cond3A_275, %dma_wait3A_364, %dma_wait3A_365] : memref<5x128x128xf32, #tpu.memory_space<vmem>> -> memref<1x128x128xf32, #tpu.memory_space<vmem>>
        %dma_wait3A_367 = tpu.memref_squeeze %dma_wait3A_366 : memref<1x128x128xf32, #tpu.memory_space<vmem>> -> memref<128x128xf32, #tpu.memory_space<vmem>>
        tpu.wait_dma2 semaphore(%arg8 : memref<!tpu.dma_semaphore, #tpu.memory_space<semaphore_mem>>) src(%dma_wait3A_367 : memref<128x128xf32, #tpu.memory_space<vmem>>) dst(%dma_wait3A_363 : memref<128x128xf32, #tpu.memory_space<hbm>>)
        %add3A_368 = arith.constant 5 : i32
        %add3A_369 = arith.addi %add3A_243, %add3A_368 : i32
        %dma_start3A_370 = arith.constant 2 : i32
        %dma_start3A_371 = arith.constant 0 : i32
        %dma_start3A_372 = arith.constant 0 : i32
        %dma_start3A_373 = tpu.memref_slice %arg6[%dma_start3A_370, %dma_start3A_371, %dma_start3A_372] : memref<5x128x128xf32, #tpu.memory_space<vmem>> -> memref<1x128x128xf32, #tpu.memory_space<vmem>>
        %dma_start3A_374 = tpu.memref_squeeze %dma_start3A_373 : memref<1x128x128xf32, #tpu.memory_space<vmem>> -> memref<128x128xf32, #tpu.memory_space<vmem>>
        %dma_start3A_375 = arith.constant 0 : i32
        %dma_start3A_376 = tpu.memref_slice %arg5[%add3A_369, %dma_start3A_375] : memref<50x128xi32, #tpu.memory_space<vmem>> -> memref<1x128xi32, #tpu.memory_space<vmem>>
        %dma_start3A_377 = tpu.memref_squeeze %dma_start3A_376 : memref<1x128xi32, #tpu.memory_space<vmem>> -> memref<128xi32, #tpu.memory_space<vmem>>
        %dma_start3A_378 = arith.constant 0 : i32
        %dma_start3A_379 = arith.constant 0 : i32
        %dma_start3A_380 = tpu.memref_slice %arg3[%dma_start3A_378, %dma_start3A_379] : memref<100000x128xf32, #tpu.memory_space<hbm>> -> memref<100000x128xf32, #tpu.memory_space<hbm>>
        tpu.enqueue_indirect_dma source(%dma_start3A_380 : memref<100000x128xf32, #tpu.memory_space<hbm>>) target(%dma_start3A_374 : memref<128x128xf32, #tpu.memory_space<vmem>>) offsets(%dma_start3A_377 : memref<128xi32, #tpu.memory_space<vmem>>) semaphore(%arg7 : memref<!tpu.dma_semaphore, #tpu.memory_space<semaphore_mem>>)
      } else {
      }
      %mul3A_278 = arith.constant 5 : i32
      %mul3A_279 = arith.muli %scan3A_166, %mul3A_278 : i32
      %add3A_280 = arith.constant 3 : i32
      %add3A_281 = arith.addi %mul3A_279, %add3A_280 : i32
      %dma_wait3A_282 = arith.constant 3 : i32
      %dma_wait3A_283 = arith.constant 0 : i32
      %dma_wait3A_284 = arith.constant 0 : i32
      %dma_wait3A_285 = tpu.memref_slice %arg6[%dma_wait3A_282, %dma_wait3A_283, %dma_wait3A_284] : memref<5x128x128xf32, #tpu.memory_space<vmem>> -> memref<1x128x128xf32, #tpu.memory_space<vmem>>
      %dma_wait3A_286 = tpu.memref_squeeze %dma_wait3A_285 : memref<1x128x128xf32, #tpu.memory_space<vmem>> -> memref<128x128xf32, #tpu.memory_space<vmem>>
      %dma_wait3A_287 = arith.constant 0 : i32
      %dma_wait3A_288 = tpu.memref_slice %arg5[%add3A_281, %dma_wait3A_287] : memref<50x128xi32, #tpu.memory_space<vmem>> -> memref<1x128xi32, #tpu.memory_space<vmem>>
      %dma_wait3A_289 = tpu.memref_squeeze %dma_wait3A_288 : memref<1x128xi32, #tpu.memory_space<vmem>> -> memref<128xi32, #tpu.memory_space<vmem>>
      %dma_wait3A_290 = arith.constant 0 : i32
      %dma_wait3A_291 = arith.constant 0 : i32
      %dma_wait3A_292 = tpu.memref_slice %arg3[%dma_wait3A_290, %dma_wait3A_291] : memref<100000x128xf32, #tpu.memory_space<hbm>> -> memref<100000x128xf32, #tpu.memory_space<hbm>>
      tpu.wait_indirect_dma semaphore(%arg7 : memref<!tpu.dma_semaphore, #tpu.memory_space<semaphore_mem>>) src(%dma_wait3A_292 : memref<100000x128xf32, #tpu.memory_space<hbm>>) dst(%dma_wait3A_286 : memref<128x128xf32, #tpu.memory_space<vmem>>)
      %dma_start3A_293 = arith.constant 3 : i32
      %dma_start3A_294 = arith.constant 0 : i32
      %dma_start3A_295 = arith.constant 0 : i32
      %dma_start3A_296 = tpu.memref_slice %arg6[%dma_start3A_293, %dma_start3A_294, %dma_start3A_295] : memref<5x128x128xf32, #tpu.memory_space<vmem>> -> memref<1x128x128xf32, #tpu.memory_space<vmem>>
      %dma_start3A_297 = tpu.memref_squeeze %dma_start3A_296 : memref<1x128x128xf32, #tpu.memory_space<vmem>> -> memref<128x128xf32, #tpu.memory_space<vmem>>
      %dma_start3A_298 = arith.constant 0 : i32
      %dma_start3A_299 = tpu.memref_slice %arg4[%add3A_281, %mul3A_2, %dma_start3A_298] : memref<50x4096x128xf32, #tpu.memory_space<hbm>> -> memref<1x128x128xf32, #tpu.memory_space<hbm>>
      %dma_start3A_300 = tpu.memref_squeeze %dma_start3A_299 : memref<1x128x128xf32, #tpu.memory_space<hbm>> -> memref<128x128xf32, #tpu.memory_space<hbm>>
      %dma_start3A_301 = arith.constant 0 : i32
      %dma_start3A_302 = tpu.memref_slice %arg4[%add3A_281, %mul3A_2, %dma_start3A_301] : memref<50x4096x128xf32, #tpu.memory_space<hbm>> -> memref<1x128x128xf32, #tpu.memory_space<hbm>>
      %dma_start3A_303 = tpu.memref_squeeze %dma_start3A_302 : memref<1x128x128xf32, #tpu.memory_space<hbm>> -> memref<128x128xf32, #tpu.memory_space<hbm>>
      %dma_start3A_304 = arith.constant 0 : i32
      %dma_start3A_305 = arith.constant 0 : i32
      %dma_start3A_306 = tpu.memref_slice %arg6[%dma_start3A_293, %dma_start3A_304, %dma_start3A_305] : memref<5x128x128xf32, #tpu.memory_space<vmem>> -> memref<1x128x128xf32, #tpu.memory_space<vmem>>
      %dma_start3A_307 = tpu.memref_squeeze %dma_start3A_306 : memref<1x128x128xf32, #tpu.memory_space<vmem>> -> memref<128x128xf32, #tpu.memory_space<vmem>>
      tpu.enqueue_dma source(%dma_start3A_307 : memref<128x128xf32, #tpu.memory_space<vmem>>) target(%dma_start3A_303 : memref<128x128xf32, #tpu.memory_space<hbm>>) target_semaphore(%arg8 : memref<!tpu.dma_semaphore, #tpu.memory_space<semaphore_mem>>)
      %add3A_308 = arith.constant 5 : i32
      %add3A_309 = arith.addi %add3A_281, %add3A_308 : i32
      %lt3A_310 = arith.constant 50 : i32
      %lt3A_311 = arith.cmpi slt, %add3A_309, %lt3A_310 : i32
      %convert_element_type3A_312 = arith.extui %lt3A_311 : i1 to i32
      %cond3A_313 = arith.constant 3 : i32
      %cond3A_314 = arith.constant 0 : i32
      %cond3A_315 = arith.cmpi ne, %convert_element_type3A_312, %cond3A_314 : i32
      scf.if %cond3A_315 {
        %dma_wait3A_354 = arith.constant 0 : i32
        %dma_wait3A_355 = arith.constant 0 : i32
        %dma_wait3A_356 = tpu.memref_slice %arg6[%cond3A_313, %dma_wait3A_354, %dma_wait3A_355] : memref<5x128x128xf32, #tpu.memory_space<vmem>> -> memref<1x128x128xf32, #tpu.memory_space<vmem>>
        %dma_wait3A_357 = tpu.memref_squeeze %dma_wait3A_356 : memref<1x128x128xf32, #tpu.memory_space<vmem>> -> memref<128x128xf32, #tpu.memory_space<vmem>>
        %dma_wait3A_358 = arith.constant 0 : i32
        %dma_wait3A_359 = tpu.memref_slice %arg4[%add3A_281, %mul3A_2, %dma_wait3A_358] : memref<50x4096x128xf32, #tpu.memory_space<hbm>> -> memref<1x128x128xf32, #tpu.memory_space<hbm>>
        %dma_wait3A_360 = tpu.memref_squeeze %dma_wait3A_359 : memref<1x128x128xf32, #tpu.memory_space<hbm>> -> memref<128x128xf32, #tpu.memory_space<hbm>>
        %dma_wait3A_361 = arith.constant 0 : i32
        %dma_wait3A_362 = tpu.memref_slice %arg4[%add3A_281, %mul3A_2, %dma_wait3A_361] : memref<50x4096x128xf32, #tpu.memory_space<hbm>> -> memref<1x128x128xf32, #tpu.memory_space<hbm>>
        %dma_wait3A_363 = tpu.memref_squeeze %dma_wait3A_362 : memref<1x128x128xf32, #tpu.memory_space<hbm>> -> memref<128x128xf32, #tpu.memory_space<hbm>>
        %dma_wait3A_364 = arith.constant 0 : i32
        %dma_wait3A_365 = arith.constant 0 : i32
        %dma_wait3A_366 = tpu.memref_slice %arg6[%cond3A_313, %dma_wait3A_364, %dma_wait3A_365] : memref<5x128x128xf32, #tpu.memory_space<vmem>> -> memref<1x128x128xf32, #tpu.memory_space<vmem>>
        %dma_wait3A_367 = tpu.memref_squeeze %dma_wait3A_366 : memref<1x128x128xf32, #tpu.memory_space<vmem>> -> memref<128x128xf32, #tpu.memory_space<vmem>>
        tpu.wait_dma2 semaphore(%arg8 : memref<!tpu.dma_semaphore, #tpu.memory_space<semaphore_mem>>) src(%dma_wait3A_367 : memref<128x128xf32, #tpu.memory_space<vmem>>) dst(%dma_wait3A_363 : memref<128x128xf32, #tpu.memory_space<hbm>>)
        %add3A_368 = arith.constant 5 : i32
        %add3A_369 = arith.addi %add3A_281, %add3A_368 : i32
        %dma_start3A_370 = arith.constant 3 : i32
        %dma_start3A_371 = arith.constant 0 : i32
        %dma_start3A_372 = arith.constant 0 : i32
        %dma_start3A_373 = tpu.memref_slice %arg6[%dma_start3A_370, %dma_start3A_371, %dma_start3A_372] : memref<5x128x128xf32, #tpu.memory_space<vmem>> -> memref<1x128x128xf32, #tpu.memory_space<vmem>>
        %dma_start3A_374 = tpu.memref_squeeze %dma_start3A_373 : memref<1x128x128xf32, #tpu.memory_space<vmem>> -> memref<128x128xf32, #tpu.memory_space<vmem>>
        %dma_start3A_375 = arith.constant 0 : i32
        %dma_start3A_376 = tpu.memref_slice %arg5[%add3A_369, %dma_start3A_375] : memref<50x128xi32, #tpu.memory_space<vmem>> -> memref<1x128xi32, #tpu.memory_space<vmem>>
        %dma_start3A_377 = tpu.memref_squeeze %dma_start3A_376 : memref<1x128xi32, #tpu.memory_space<vmem>> -> memref<128xi32, #tpu.memory_space<vmem>>
        %dma_start3A_378 = arith.constant 0 : i32
        %dma_start3A_379 = arith.constant 0 : i32
        %dma_start3A_380 = tpu.memref_slice %arg3[%dma_start3A_378, %dma_start3A_379] : memref<100000x128xf32, #tpu.memory_space<hbm>> -> memref<100000x128xf32, #tpu.memory_space<hbm>>
        tpu.enqueue_indirect_dma source(%dma_start3A_380 : memref<100000x128xf32, #tpu.memory_space<hbm>>) target(%dma_start3A_374 : memref<128x128xf32, #tpu.memory_space<vmem>>) offsets(%dma_start3A_377 : memref<128xi32, #tpu.memory_space<vmem>>) semaphore(%arg7 : memref<!tpu.dma_semaphore, #tpu.memory_space<semaphore_mem>>)
      } else {
      }
      %mul3A_316 = arith.constant 5 : i32
      %mul3A_317 = arith.muli %scan3A_166, %mul3A_316 : i32
      %add3A_318 = arith.constant 4 : i32
      %add3A_319 = arith.addi %mul3A_317, %add3A_318 : i32
      %dma_wait3A_320 = arith.constant 4 : i32
      %dma_wait3A_321 = arith.constant 0 : i32
      %dma_wait3A_322 = arith.constant 0 : i32
      %dma_wait3A_323 = tpu.memref_slice %arg6[%dma_wait3A_320, %dma_wait3A_321, %dma_wait3A_322] : memref<5x128x128xf32, #tpu.memory_space<vmem>> -> memref<1x128x128xf32, #tpu.memory_space<vmem>>
      %dma_wait3A_324 = tpu.memref_squeeze %dma_wait3A_323 : memref<1x128x128xf32, #tpu.memory_space<vmem>> -> memref<128x128xf32, #tpu.memory_space<vmem>>
      %dma_wait3A_325 = arith.constant 0 : i32
      %dma_wait3A_326 = tpu.memref_slice %arg5[%add3A_319, %dma_wait3A_325] : memref<50x128xi32, #tpu.memory_space<vmem>> -> memref<1x128xi32, #tpu.memory_space<vmem>>
      %dma_wait3A_327 = tpu.memref_squeeze %dma_wait3A_326 : memref<1x128xi32, #tpu.memory_space<vmem>> -> memref<128xi32, #tpu.memory_space<vmem>>
      %dma_wait3A_328 = arith.constant 0 : i32
      %dma_wait3A_329 = arith.constant 0 : i32
      %dma_wait3A_330 = tpu.memref_slice %arg3[%dma_wait3A_328, %dma_wait3A_329] : memref<100000x128xf32, #tpu.memory_space<hbm>> -> memref<100000x128xf32, #tpu.memory_space<hbm>>
      tpu.wait_indirect_dma semaphore(%arg7 : memref<!tpu.dma_semaphore, #tpu.memory_space<semaphore_mem>>) src(%dma_wait3A_330 : memref<100000x128xf32, #tpu.memory_space<hbm>>) dst(%dma_wait3A_324 : memref<128x128xf32, #tpu.memory_space<vmem>>)
      %dma_start3A_331 = arith.constant 4 : i32
      %dma_start3A_332 = arith.constant 0 : i32
      %dma_start3A_333 = arith.constant 0 : i32
      %dma_start3A_334 = tpu.memref_slice %arg6[%dma_start3A_331, %dma_start3A_332, %dma_start3A_333] : memref<5x128x128xf32, #tpu.memory_space<vmem>> -> memref<1x128x128xf32, #tpu.memory_space<vmem>>
      %dma_start3A_335 = tpu.memref_squeeze %dma_start3A_334 : memref<1x128x128xf32, #tpu.memory_space<vmem>> -> memref<128x128xf32, #tpu.memory_space<vmem>>
      %dma_start3A_336 = arith.constant 0 : i32
      %dma_start3A_337 = tpu.memref_slice %arg4[%add3A_319, %mul3A_2, %dma_start3A_336] : memref<50x4096x128xf32, #tpu.memory_space<hbm>> -> memref<1x128x128xf32, #tpu.memory_space<hbm>>
      %dma_start3A_338 = tpu.memref_squeeze %dma_start3A_337 : memref<1x128x128xf32, #tpu.memory_space<hbm>> -> memref<128x128xf32, #tpu.memory_space<hbm>>
      %dma_start3A_339 = arith.constant 0 : i32
      %dma_start3A_340 = tpu.memref_slice %arg4[%add3A_319, %mul3A_2, %dma_start3A_339] : memref<50x4096x128xf32, #tpu.memory_space<hbm>> -> memref<1x128x128xf32, #tpu.memory_space<hbm>>
      %dma_start3A_341 = tpu.memref_squeeze %dma_start3A_340 : memref<1x128x128xf32, #tpu.memory_space<hbm>> -> memref<128x128xf32, #tpu.memory_space<hbm>>
      %dma_start3A_342 = arith.constant 0 : i32
      %dma_start3A_343 = arith.constant 0 : i32
      %dma_start3A_344 = tpu.memref_slice %arg6[%dma_start3A_331, %dma_start3A_342, %dma_start3A_343] : memref<5x128x128xf32, #tpu.memory_space<vmem>> -> memref<1x128x128xf32, #tpu.memory_space<vmem>>
      %dma_start3A_345 = tpu.memref_squeeze %dma_start3A_344 : memref<1x128x128xf32, #tpu.memory_space<vmem>> -> memref<128x128xf32, #tpu.memory_space<vmem>>
      tpu.enqueue_dma source(%dma_start3A_345 : memref<128x128xf32, #tpu.memory_space<vmem>>) target(%dma_start3A_341 : memref<128x128xf32, #tpu.memory_space<hbm>>) target_semaphore(%arg8 : memref<!tpu.dma_semaphore, #tpu.memory_space<semaphore_mem>>)
      %add3A_346 = arith.constant 5 : i32
      %add3A_347 = arith.addi %add3A_319, %add3A_346 : i32
      %lt3A_348 = arith.constant 50 : i32
      %lt3A_349 = arith.cmpi slt, %add3A_347, %lt3A_348 : i32
      %convert_element_type3A_350 = arith.extui %lt3A_349 : i1 to i32
      %cond3A_351 = arith.constant 4 : i32
      %cond3A_352 = arith.constant 0 : i32
      %cond3A_353 = arith.cmpi ne, %convert_element_type3A_350, %cond3A_352 : i32
      scf.if %cond3A_353 {
        %dma_wait3A_354 = arith.constant 0 : i32
        %dma_wait3A_355 = arith.constant 0 : i32
        %dma_wait3A_356 = tpu.memref_slice %arg6[%cond3A_351, %dma_wait3A_354, %dma_wait3A_355] : memref<5x128x128xf32, #tpu.memory_space<vmem>> -> memref<1x128x128xf32, #tpu.memory_space<vmem>>
        %dma_wait3A_357 = tpu.memref_squeeze %dma_wait3A_356 : memref<1x128x128xf32, #tpu.memory_space<vmem>> -> memref<128x128xf32, #tpu.memory_space<vmem>>
        %dma_wait3A_358 = arith.constant 0 : i32
        %dma_wait3A_359 = tpu.memref_slice %arg4[%add3A_319, %mul3A_2, %dma_wait3A_358] : memref<50x4096x128xf32, #tpu.memory_space<hbm>> -> memref<1x128x128xf32, #tpu.memory_space<hbm>>
        %dma_wait3A_360 = tpu.memref_squeeze %dma_wait3A_359 : memref<1x128x128xf32, #tpu.memory_space<hbm>> -> memref<128x128xf32, #tpu.memory_space<hbm>>
        %dma_wait3A_361 = arith.constant 0 : i32
        %dma_wait3A_362 = tpu.memref_slice %arg4[%add3A_319, %mul3A_2, %dma_wait3A_361] : memref<50x4096x128xf32, #tpu.memory_space<hbm>> -> memref<1x128x128xf32, #tpu.memory_space<hbm>>
        %dma_wait3A_363 = tpu.memref_squeeze %dma_wait3A_362 : memref<1x128x128xf32, #tpu.memory_space<hbm>> -> memref<128x128xf32, #tpu.memory_space<hbm>>
        %dma_wait3A_364 = arith.constant 0 : i32
        %dma_wait3A_365 = arith.constant 0 : i32
        %dma_wait3A_366 = tpu.memref_slice %arg6[%cond3A_351, %dma_wait3A_364, %dma_wait3A_365] : memref<5x128x128xf32, #tpu.memory_space<vmem>> -> memref<1x128x128xf32, #tpu.memory_space<vmem>>
        %dma_wait3A_367 = tpu.memref_squeeze %dma_wait3A_366 : memref<1x128x128xf32, #tpu.memory_space<vmem>> -> memref<128x128xf32, #tpu.memory_space<vmem>>
        tpu.wait_dma2 semaphore(%arg8 : memref<!tpu.dma_semaphore, #tpu.memory_space<semaphore_mem>>) src(%dma_wait3A_367 : memref<128x128xf32, #tpu.memory_space<vmem>>) dst(%dma_wait3A_363 : memref<128x128xf32, #tpu.memory_space<hbm>>)
        %add3A_368 = arith.constant 5 : i32
        %add3A_369 = arith.addi %add3A_319, %add3A_368 : i32
        %dma_start3A_370 = arith.constant 4 : i32
        %dma_start3A_371 = arith.constant 0 : i32
        %dma_start3A_372 = arith.constant 0 : i32
        %dma_start3A_373 = tpu.memref_slice %arg6[%dma_start3A_370, %dma_start3A_371, %dma_start3A_372] : memref<5x128x128xf32, #tpu.memory_space<vmem>> -> memref<1x128x128xf32, #tpu.memory_space<vmem>>
        %dma_start3A_374 = tpu.memref_squeeze %dma_start3A_373 : memref<1x128x128xf32, #tpu.memory_space<vmem>> -> memref<128x128xf32, #tpu.memory_space<vmem>>
        %dma_start3A_375 = arith.constant 0 : i32
        %dma_start3A_376 = tpu.memref_slice %arg5[%add3A_369, %dma_start3A_375] : memref<50x128xi32, #tpu.memory_space<vmem>> -> memref<1x128xi32, #tpu.memory_space<vmem>>
        %dma_start3A_377 = tpu.memref_squeeze %dma_start3A_376 : memref<1x128xi32, #tpu.memory_space<vmem>> -> memref<128xi32, #tpu.memory_space<vmem>>
        %dma_start3A_378 = arith.constant 0 : i32
        %dma_start3A_379 = arith.constant 0 : i32
        %dma_start3A_380 = tpu.memref_slice %arg3[%dma_start3A_378, %dma_start3A_379] : memref<100000x128xf32, #tpu.memory_space<hbm>> -> memref<100000x128xf32, #tpu.memory_space<hbm>>
        tpu.enqueue_indirect_dma source(%dma_start3A_380 : memref<100000x128xf32, #tpu.memory_space<hbm>>) target(%dma_start3A_374 : memref<128x128xf32, #tpu.memory_space<vmem>>) offsets(%dma_start3A_377 : memref<128xi32, #tpu.memory_space<vmem>>) semaphore(%arg7 : memref<!tpu.dma_semaphore, #tpu.memory_space<semaphore_mem>>)
      } else {
      }
    }
    %scan3A_85 = arith.constant 10 : i32
    %dma_wait3A_86 = arith.constant 0 : i32
    %dma_wait3A_87 = arith.constant 45 : i32
    %dma_wait3A_88 = arith.constant 0 : i32
    %dma_wait3A_89 = arith.constant 0 : i32
    %dma_wait3A_90 = tpu.memref_slice %arg6[%dma_wait3A_86, %dma_wait3A_88, %dma_wait3A_89] : memref<5x128x128xf32, #tpu.memory_space<vmem>> -> memref<1x128x128xf32, #tpu.memory_space<vmem>>
    %dma_wait3A_91 = tpu.memref_squeeze %dma_wait3A_90 : memref<1x128x128xf32, #tpu.memory_space<vmem>> -> memref<128x128xf32, #tpu.memory_space<vmem>>
    %dma_wait3A_92 = arith.constant 0 : i32
    %dma_wait3A_93 = tpu.memref_slice %arg4[%dma_wait3A_87, %mul3A_2, %dma_wait3A_92] : memref<50x4096x128xf32, #tpu.memory_space<hbm>> -> memref<1x128x128xf32, #tpu.memory_space<hbm>>
    %dma_wait3A_94 = tpu.memref_squeeze %dma_wait3A_93 : memref<1x128x128xf32, #tpu.memory_space<hbm>> -> memref<128x128xf32, #tpu.memory_space<hbm>>
    %dma_wait3A_95 = arith.constant 0 : i32
    %dma_wait3A_96 = tpu.memref_slice %arg4[%dma_wait3A_87, %mul3A_2, %dma_wait3A_95] : memref<50x4096x128xf32, #tpu.memory_space<hbm>> -> memref<1x128x128xf32, #tpu.memory_space<hbm>>
    %dma_wait3A_97 = tpu.memref_squeeze %dma_wait3A_96 : memref<1x128x128xf32, #tpu.memory_space<hbm>> -> memref<128x128xf32, #tpu.memory_space<hbm>>
    %dma_wait3A_98 = arith.constant 0 : i32
    %dma_wait3A_99 = arith.constant 0 : i32
    %dma_wait3A_100 = tpu.memref_slice %arg6[%dma_wait3A_86, %dma_wait3A_98, %dma_wait3A_99] : memref<5x128x128xf32, #tpu.memory_space<vmem>> -> memref<1x128x128xf32, #tpu.memory_space<vmem>>
    %dma_wait3A_101 = tpu.memref_squeeze %dma_wait3A_100 : memref<1x128x128xf32, #tpu.memory_space<vmem>> -> memref<128x128xf32, #tpu.memory_space<vmem>>
    tpu.wait_dma2 semaphore(%arg8 : memref<!tpu.dma_semaphore, #tpu.memory_space<semaphore_mem>>) src(%dma_wait3A_101 : memref<128x128xf32, #tpu.memory_space<vmem>>) dst(%dma_wait3A_97 : memref<128x128xf32, #tpu.memory_space<hbm>>)
    %dma_wait3A_102 = arith.constant 1 : i32
    %dma_wait3A_103 = arith.constant 46 : i32
    %dma_wait3A_104 = arith.constant 0 : i32
    %dma_wait3A_105 = arith.constant 0 : i32
    %dma_wait3A_106 = tpu.memref_slice %arg6[%dma_wait3A_102, %dma_wait3A_104, %dma_wait3A_105] : memref<5x128x128xf32, #tpu.memory_space<vmem>> -> memref<1x128x128xf32, #tpu.memory_space<vmem>>
    %dma_wait3A_107 = tpu.memref_squeeze %dma_wait3A_106 : memref<1x128x128xf32, #tpu.memory_space<vmem>> -> memref<128x128xf32, #tpu.memory_space<vmem>>
    %dma_wait3A_108 = arith.constant 0 : i32
    %dma_wait3A_109 = tpu.memref_slice %arg4[%dma_wait3A_103, %mul3A_2, %dma_wait3A_108] : memref<50x4096x128xf32, #tpu.memory_space<hbm>> -> memref<1x128x128xf32, #tpu.memory_space<hbm>>
    %dma_wait3A_110 = tpu.memref_squeeze %dma_wait3A_109 : memref<1x128x128xf32, #tpu.memory_space<hbm>> -> memref<128x128xf32, #tpu.memory_space<hbm>>
    %dma_wait3A_111 = arith.constant 0 : i32
    %dma_wait3A_112 = tpu.memref_slice %arg4[%dma_wait3A_103, %mul3A_2, %dma_wait3A_111] : memref<50x4096x128xf32, #tpu.memory_space<hbm>> -> memref<1x128x128xf32, #tpu.memory_space<hbm>>
    %dma_wait3A_113 = tpu.memref_squeeze %dma_wait3A_112 : memref<1x128x128xf32, #tpu.memory_space<hbm>> -> memref<128x128xf32, #tpu.memory_space<hbm>>
    %dma_wait3A_114 = arith.constant 0 : i32
    %dma_wait3A_115 = arith.constant 0 : i32
    %dma_wait3A_116 = tpu.memref_slice %arg6[%dma_wait3A_102, %dma_wait3A_114, %dma_wait3A_115] : memref<5x128x128xf32, #tpu.memory_space<vmem>> -> memref<1x128x128xf32, #tpu.memory_space<vmem>>
    %dma_wait3A_117 = tpu.memref_squeeze %dma_wait3A_116 : memref<1x128x128xf32, #tpu.memory_space<vmem>> -> memref<128x128xf32, #tpu.memory_space<vmem>>
    tpu.wait_dma2 semaphore(%arg8 : memref<!tpu.dma_semaphore, #tpu.memory_space<semaphore_mem>>) src(%dma_wait3A_117 : memref<128x128xf32, #tpu.memory_space<vmem>>) dst(%dma_wait3A_113 : memref<128x128xf32, #tpu.memory_space<hbm>>)
    %dma_wait3A_118 = arith.constant 2 : i32
    %dma_wait3A_119 = arith.constant 47 : i32
    %dma_wait3A_120 = arith.constant 0 : i32
    %dma_wait3A_121 = arith.constant 0 : i32
    %dma_wait3A_122 = tpu.memref_slice %arg6[%dma_wait3A_118, %dma_wait3A_120, %dma_wait3A_121] : memref<5x128x128xf32, #tpu.memory_space<vmem>> -> memref<1x128x128xf32, #tpu.memory_space<vmem>>
    %dma_wait3A_123 = tpu.memref_squeeze %dma_wait3A_122 : memref<1x128x128xf32, #tpu.memory_space<vmem>> -> memref<128x128xf32, #tpu.memory_space<vmem>>
    %dma_wait3A_124 = arith.constant 0 : i32
    %dma_wait3A_125 = tpu.memref_slice %arg4[%dma_wait3A_119, %mul3A_2, %dma_wait3A_124] : memref<50x4096x128xf32, #tpu.memory_space<hbm>> -> memref<1x128x128xf32, #tpu.memory_space<hbm>>
    %dma_wait3A_126 = tpu.memref_squeeze %dma_wait3A_125 : memref<1x128x128xf32, #tpu.memory_space<hbm>> -> memref<128x128xf32, #tpu.memory_space<hbm>>
    %dma_wait3A_127 = arith.constant 0 : i32
    %dma_wait3A_128 = tpu.memref_slice %arg4[%dma_wait3A_119, %mul3A_2, %dma_wait3A_127] : memref<50x4096x128xf32, #tpu.memory_space<hbm>> -> memref<1x128x128xf32, #tpu.memory_space<hbm>>
    %dma_wait3A_129 = tpu.memref_squeeze %dma_wait3A_128 : memref<1x128x128xf32, #tpu.memory_space<hbm>> -> memref<128x128xf32, #tpu.memory_space<hbm>>
    %dma_wait3A_130 = arith.constant 0 : i32
    %dma_wait3A_131 = arith.constant 0 : i32
    %dma_wait3A_132 = tpu.memref_slice %arg6[%dma_wait3A_118, %dma_wait3A_130, %dma_wait3A_131] : memref<5x128x128xf32, #tpu.memory_space<vmem>> -> memref<1x128x128xf32, #tpu.memory_space<vmem>>
    %dma_wait3A_133 = tpu.memref_squeeze %dma_wait3A_132 : memref<1x128x128xf32, #tpu.memory_space<vmem>> -> memref<128x128xf32, #tpu.memory_space<vmem>>
    tpu.wait_dma2 semaphore(%arg8 : memref<!tpu.dma_semaphore, #tpu.memory_space<semaphore_mem>>) src(%dma_wait3A_133 : memref<128x128xf32, #tpu.memory_space<vmem>>) dst(%dma_wait3A_129 : memref<128x128xf32, #tpu.memory_space<hbm>>)
    %dma_wait3A_134 = arith.constant 3 : i32
    %dma_wait3A_135 = arith.constant 48 : i32
    %dma_wait3A_136 = arith.constant 0 : i32
    %dma_wait3A_137 = arith.constant 0 : i32
    %dma_wait3A_138 = tpu.memref_slice %arg6[%dma_wait3A_134, %dma_wait3A_136, %dma_wait3A_137] : memref<5x128x128xf32, #tpu.memory_space<vmem>> -> memref<1x128x128xf32, #tpu.memory_space<vmem>>
    %dma_wait3A_139 = tpu.memref_squeeze %dma_wait3A_138 : memref<1x128x128xf32, #tpu.memory_space<vmem>> -> memref<128x128xf32, #tpu.memory_space<vmem>>
    %dma_wait3A_140 = arith.constant 0 : i32
    %dma_wait3A_141 = tpu.memref_slice %arg4[%dma_wait3A_135, %mul3A_2, %dma_wait3A_140] : memref<50x4096x128xf32, #tpu.memory_space<hbm>> -> memref<1x128x128xf32, #tpu.memory_space<hbm>>
    %dma_wait3A_142 = tpu.memref_squeeze %dma_wait3A_141 : memref<1x128x128xf32, #tpu.memory_space<hbm>> -> memref<128x128xf32, #tpu.memory_space<hbm>>
    %dma_wait3A_143 = arith.constant 0 : i32
    %dma_wait3A_144 = tpu.memref_slice %arg4[%dma_wait3A_135, %mul3A_2, %dma_wait3A_143] : memref<50x4096x128xf32, #tpu.memory_space<hbm>> -> memref<1x128x128xf32, #tpu.memory_space<hbm>>
    %dma_wait3A_145 = tpu.memref_squeeze %dma_wait3A_144 : memref<1x128x128xf32, #tpu.memory_space<hbm>> -> memref<128x128xf32, #tpu.memory_space<hbm>>
    %dma_wait3A_146 = arith.constant 0 : i32
    %dma_wait3A_147 = arith.constant 0 : i32
    %dma_wait3A_148 = tpu.memref_slice %arg6[%dma_wait3A_134, %dma_wait3A_146, %dma_wait3A_147] : memref<5x128x128xf32, #tpu.memory_space<vmem>> -> memref<1x128x128xf32, #tpu.memory_space<vmem>>
    %dma_wait3A_149 = tpu.memref_squeeze %dma_wait3A_148 : memref<1x128x128xf32, #tpu.memory_space<vmem>> -> memref<128x128xf32, #tpu.memory_space<vmem>>
    tpu.wait_dma2 semaphore(%arg8 : memref<!tpu.dma_semaphore, #tpu.memory_space<semaphore_mem>>) src(%dma_wait3A_149 : memref<128x128xf32, #tpu.memory_space<vmem>>) dst(%dma_wait3A_145 : memref<128x128xf32, #tpu.memory_space<hbm>>)
    %dma_wait3A_150 = arith.constant 4 : i32
    %dma_wait3A_151 = arith.constant 49 : i32
    %dma_wait3A_152 = arith.constant 0 : i32
    %dma_wait3A_153 = arith.constant 0 : i32
    %dma_wait3A_154 = tpu.memref_slice %arg6[%dma_wait3A_150, %dma_wait3A_152, %dma_wait3A_153] : memref<5x128x128xf32, #tpu.memory_space<vmem>> -> memref<1x128x128xf32, #tpu.memory_space<vmem>>
    %dma_wait3A_155 = tpu.memref_squeeze %dma_wait3A_154 : memref<1x128x128xf32, #tpu.memory_space<vmem>> -> memref<128x128xf32, #tpu.memory_space<vmem>>
    %dma_wait3A_156 = arith.constant 0 : i32
    %dma_wait3A_157 = tpu.memref_slice %arg4[%dma_wait3A_151, %mul3A_2, %dma_wait3A_156] : memref<50x4096x128xf32, #tpu.memory_space<hbm>> -> memref<1x128x128xf32, #tpu.memory_space<hbm>>
    %dma_wait3A_158 = tpu.memref_squeeze %dma_wait3A_157 : memref<1x128x128xf32, #tpu.memory_space<hbm>> -> memref<128x128xf32, #tpu.memory_space<hbm>>
    %dma_wait3A_159 = arith.constant 0 : i32
    %dma_wait3A_160 = tpu.memref_slice %arg4[%dma_wait3A_151, %mul3A_2, %dma_wait3A_159] : memref<50x4096x128xf32, #tpu.memory_space<hbm>> -> memref<1x128x128xf32, #tpu.memory_space<hbm>>
    %dma_wait3A_161 = tpu.memref_squeeze %dma_wait3A_160 : memref<1x128x128xf32, #tpu.memory_space<hbm>> -> memref<128x128xf32, #tpu.memory_space<hbm>>
    %dma_wait3A_162 = arith.constant 0 : i32
    %dma_wait3A_163 = arith.constant 0 : i32
    %dma_wait3A_164 = tpu.memref_slice %arg6[%dma_wait3A_150, %dma_wait3A_162, %dma_wait3A_163] : memref<5x128x128xf32, #tpu.memory_space<vmem>> -> memref<1x128x128xf32, #tpu.memory_space<vmem>>
    %dma_wait3A_165 = tpu.memref_squeeze %dma_wait3A_164 : memref<1x128x128xf32, #tpu.memory_space<vmem>> -> memref<128x128xf32, #tpu.memory_space<vmem>>
    tpu.wait_dma2 semaphore(%arg8 : memref<!tpu.dma_semaphore, #tpu.memory_space<semaphore_mem>>) src(%dma_wait3A_165 : memref<128x128xf32, #tpu.memory_space<vmem>>) dst(%dma_wait3A_161 : memref<128x128xf32, #tpu.memory_space<hbm>>)
    return
  }
}

</mosaic_0001>

<sc_bundles>
// kernel: kernel.3.cloned.1.call-start
scs
__scs_entry_jumppad:
0x0: {  	(pc) =	sbr.rel $0x88, $3  }
0x1: {  	(tag) =	ssettag $0x0;
	lr =	simm.s32 $0x1  }
0x2: {  	[smem:$0x3F9F] =	sst lr;
	_ =	strace $0xD0000000  }
0x3: {  	_ = 	snop  }
0x4: {  	_ = 	snop  }
0x5: {  	_ = 	snop  }
0x6: {  	_ = 	snop  }
0x7: {  	_ = 	snop  }
__scs_overlays_trampoline_lowered:
0x8: {  	[smem:$0x3FAE] =	sst s0  }
0x9: {  	[smem:$0x3FAF] =	sst s1  }
0xa: {  	[smem:$0x3FB0] =	sst s2  }
0xb: {  	[smem:$0x3FB1] =	sst s3  }
0xc: {  	[smem:$0x3FB2] =	sst s4  }
0xd: {  	[smem:$0x3FB3] =	sst s5  }
0xe: {  	[smem:$0x3FB4] =	sst s6  }
0xf: {  	[smem:$0x3FB5] =	sst s7  }
0x10: {  	[smem:$0x3FB6] =	sst s8  }
0x11: {  	[smem:$0x3FB7] =	sst s9;
	s0 =	simm.s32 @!p0 $0x0  }
0x12: {  	s1 =	sld [smem:$0x3F9D];
	s0 =	simm.s32 @p0 $0x1  }
0x13: {  	[smem:$0x3FB8] =	sst s0;
	s0 =	simm.s32 @!p1 $0x0  }
0x14: {  	s2 =	sld [smem:$0x3F9C];
	s0 =	simm.s32 @p1 $0x1  }
0x15: {  	[smem:$0x3FB9] =	sst s0;
	s0 =	simm.s32 @!p2 $0x0  }
0x16: {  	s3 =	sld [smem:$0x3FDB];
	s0 =	simm.s32 @p2 $0x1  }
0x17: {  	s4 =	simm.s32 $0x1BF5;
	[smem:$0x3FBB] =	sst s0  }
0x18: {  	s0 =	sld [smem:$0x3F9E];
	_ =	swait.ge [sflag:s4], $0x0  }
0x19: {  	s7 =	sld [smem:$0x3F9F]  }
0x1a: {  	s8 =	sadd.s32 $0xFFFFE003, lr  }
0x1b: {  	s9 =	sadd.s32 $0xFFFFFEF7, lr;
	s5 =	simm.s32 $0xFFFFFFFF;
	p2 =	slt.u32 s8, $0xFFFFF086  }
0x1c: {  	p1 =	slt.u32 s9, $0xF7A;
	s5 =	simm.s32 @!p2 $0x0  }
0x1d: {  	s5 =	simm.s32 @p1 $0x1;
	p0 =	seq.s32 s7, s2  }
0x1e: {  	s7 =	smul.u32 @!p0 $0xF7A, s2;
	p2 =	seq.s32 @!p0 s5, $0x0  }
0x1f: {  	s9 =	smul.u32 $0xF7A, s1;
	s8 =	simm.s32 @!p0 $0x1BF5;
	p2 =	por !p2, p0  }
0x20: {  	[sflag:s8] =	ssyncset.s32 @!p0 $0xFFFFF086;
	s6 =	sadd.s32 @!p0 s3, s7;
	s7 =	simm.s32 @!p0 $0x108  }
0x21: {  	s3 =	sadd.s32 s3, s9;
	s6 =	sadd.s32 @!p0 $0x88, s6;
	s7 =	simm.s32 @p2 $0x1082  }
0x22: {  	[simem:s7], [sflag:s8] =	dma.local @!p0 [hbm:s6], $0xF7A  }
0x23: {  	s9 =	sor.u32 $0xD0000000, s2;
	s6 =	simm.s32 $0x108;
	_ =	swait.ge @!p0 [sflag:s8], $0x0  }
0x24: {  	s3 =	sadd.s32 $0x88, s3;
	s6 =	simm.s32 @!p1 $0x1082;
	[sflag:s4] =	ssyncset.s32 $0xFFFFF086  }
0x25: {  	[simem:s6], [sflag:s4] =	dma.local [hbm:s3], $0xF7A  }
0x26: {  	[smem:$0x3F9F] =	sst s1;
	(tag) =	ssettag s2;
	_ =	strace s9  }
0x27: {  	s1 =	sld [smem:$0x3FAF]  }
0x28: {  	s2 =	sld [smem:$0x3FB0]  }
0x29: {  	s4 =	sld [smem:$0x3FB2]  }
0x2a: {  	p0 =	seq.s32 s5, $0x0;
	s5 =	sld [smem:$0x3FB3]  }
0x2b: {  	s6 =	sld [smem:$0x3FB4]  }
0x2c: {  	s7 =	sld [smem:$0x3FB5]  }
0x2d: {  	s3 =	simm.s32 $0x108;
	s8 =	sld [smem:$0x3FB6]  }
0x2e: {  	s3 =	simm.s32 @!p0 $0x1082;
	s9 =	sld [smem:$0x3FB7]  }
0x2f: {  	lr =	sadd.s32 s0, s3;
	s0 =	sld [smem:$0x3FAE]  }
0x30: {  	s3 =	sld [smem:$0x3FB1]  }
0x31: {  	[smem:$0x3FBA] =	sst s10  }
0x32: {  	s10 =	sld [smem:$0x3FB8];
	_ =	sdelay $0x3  }
0x33: {  	p0 =	seq.s32 s10, $0x1;
	s10 =	sld [smem:$0x3FBA];
	_ =	sdelay $0x3  }
0x34: {  	[smem:$0x3FBA] =	sst s10  }
0x35: {  	s10 =	sld [smem:$0x3FB9];
	_ =	sdelay $0x3  }
0x36: {  	p1 =	seq.s32 s10, $0x1;
	s10 =	sld [smem:$0x3FBA];
	_ =	sdelay $0x3  }
0x37: {  	[smem:$0x3FBA] =	sst s10  }
0x38: {  	s10 =	sld [smem:$0x3FBB]  }
0x39: {  	_ = 	snop;
	(pc) =	sbr.ind lr, $3  }
0x3a: {  	_ = 	snop  }
0x3b: {  	_ = 	snop  }
0x3c: {  	p2 =	seq.s32 s10, $0x1;
	s10 =	sld [smem:$0x3FBA]  }
0x3d: {  	_ =	shalt  }
0x3e: {  	_ =	shalt  }
0x3f: {  	_ =	shalt  }
0x40: {  	_ =	shalt  }
0x41: {  	_ =	shalt  }
0x42: {  	_ =	shalt  }
0x43: {  	_ =	shalt  }
0x44: {  	_ =	shalt  }
0x45: {  	_ =	shalt  }
0x46: {  	_ =	shalt  }
0x47: {  	_ =	shalt  }
0x48: {  	_ =	shalt  }
0x49: {  	_ =	shalt  }
0x4a: {  	_ =	shalt  }
0x4b: {  	_ =	shalt  }
0x4c: {  	_ =	shalt  }
0x4d: {  	_ =	shalt  }
0x4e: {  	_ =	shalt  }
0x4f: {  	_ =	shalt  }
0x50: {  	_ =	shalt  }
0x51: {  	_ =	shalt  }
0x52: {  	_ =	shalt  }
0x53: {  	_ =	shalt  }
0x54: {  	_ =	shalt  }
0x55: {  	_ =	shalt  }
0x56: {  	_ =	shalt  }
0x57: {  	_ =	shalt  }
0x58: {  	_ =	shalt  }
0x59: {  	_ =	shalt  }
0x5a: {  	_ =	shalt  }
0x5b: {  	_ =	shalt  }
0x5c: {  	_ =	shalt  }
0x5d: {  	_ =	shalt  }
0x5e: {  	_ =	shalt  }
0x5f: {  	_ =	shalt  }
0x60: {  	_ =	shalt  }
0x61: {  	_ =	shalt  }
0x62: {  	_ =	shalt  }
0x63: {  	_ =	shalt  }
0x64: {  	_ =	shalt  }
0x65: {  	_ =	shalt  }
0x66: {  	_ =	shalt  }
0x67: {  	_ =	shalt  }
0x68: {  	_ =	shalt  }
0x69: {  	_ =	shalt  }
0x6a: {  	_ =	shalt  }
0x6b: {  	_ =	shalt  }
0x6c: {  	_ =	shalt  }
0x6d: {  	_ =	shalt  }
0x6e: {  	_ =	shalt  }
0x6f: {  	_ =	shalt  }
0x70: {  	_ =	shalt  }
0x71: {  	_ =	shalt  }
0x72: {  	_ =	shalt  }
0x73: {  	_ =	shalt  }
0x74: {  	_ =	shalt  }
0x75: {  	_ =	shalt  }
0x76: {  	_ =	shalt  }
0x77: {  	_ =	shalt  }
0x78: {  	_ =	shalt  }
0x79: {  	_ =	shalt  }
0x7a: {  	_ =	shalt  }
0x7b: {  	_ =	shalt  }
0x7c: {  	_ =	shalt  }
0x7d: {  	_ =	shalt  }
0x7e: {  	_ =	shalt  }
0x7f: {  	_ =	shalt  }
0x80: {  	_ =	shalt  }
0x81: {  	_ =	shalt  }
0x82: {  	_ =	shalt  }
0x83: {  	_ =	shalt  }
0x84: {  	_ =	shalt  }
0x85: {  	_ =	shalt  }
0x86: {  	_ =	shalt  }
0x87: {  	_ =	shalt  }
.Lfunc_end0:
.L_simem_size_0:
called_computation_lowered:
.L_overlay_start_0:
0x88: {  	s2 =	sld [smem:$0x3FD9]  }
0x89: {  	s3 =	sld [smem:$0x3FFE];
	_ =	sdelay $0x1  }
0x8a: {  	s1 =	srdreg.scid  }
0x8b: {  	s0 =	sand.u32 $0x1, s1  }
0x8c: {  	s18 =	sshll.u32 s0, $0xA;
	s2 =	sadd.s32 s3, s2  }
0x8d: {  	s2 =	sadd.s32 s2, s18  }
0x8e: {  	[smem:$0x3FC6] =	sst s2  }
0x8f: {  	_ = 	snop  }
0x90: {  	s2 =	sld [smem:$0x3FC9]  }
0x91: {  	s19 =	sld [smem:$0x3FC8]  }
0x92: {  	s4 =	sld [smem:$0x3FD0];
	(tm) =	ssettm $0x1  }
0x93: {  	s5 =	sld [smem:$0x3FFB];
	_ =	sdelay $0x3  }
0x94: {  	_ =	strace s5  }
0x95: {  	s5 =	sld [smem:$0x3FFC];
	_ =	sdelay $0x3  }
0x96: {  	_ =	strace s5  }
0x97: {  	s5 =	sld [smem:$0x3FFD];
	_ =	sdelay $0x3  }
0x98: {  	_ =	strace s5  }
0x99: {  	_ =	strace $0x8FFFFFFF  }
0x9a: {  	s20 =	sld [smem:$0x3FDB];
	_ =	sdelay $0x1  }
0x9b: {  	s6 =	simm.s32 $_scs_section_size  }
0x9c: {  	s7 =	simm.s32 $_size__tile_overlayer_lowered;
	s8 =	simm.s32 $_tile_overlayer_lowered  }
0x9d: {  	s23 =	simm.s32 $0x1BFF;
	s22 =	sshll.u32 s8, $0x1;
	s5 =	sadd.s32 s6, s20  }
0x9e: {  	s9 =	simm.s32 $0x0;
	s21 =	sshll.u32 s7, $0x1;
	s7 =	sadd.s32 s22, s5  }
0x9f: {  	[timem:s9], [sflag:s23] =	dma.local [hbm:s7], s21  }
0xa0: {  	_ =	swait.ge [sflag:s23], s21  }
0xa1: {  	s6 =	ssub.s32 $0x0, s21;
	[sflag:s23] =	ssyncset.done $0x0  }
0xa2: {  	[sflag:s23] =	ssyncadd.s32 s6;
	_ =	sdelay $0x1  }
0xa3: {  	s24 =	simm.s32 $0x1B8B  }
0xa4: {  	_ =	swait.ge [sflag:s24], $0x1  }
0xa5: {  	[sflag:s24] =	ssyncset.done $0x0  }
0xa6: {  	s25 =	simm.s32 $0x1B8E;
	[sflag:s24] =	ssyncadd.s32 $0xFFFFFFFF  }
0xa7: {  	s26 =	simm.s32 $execute0_lowered;
	[smem:$0x3FD2] =	sst s25  }
0xa8: {  	s6 =	sshll.u32 s26, $0x1;
	_ =	strace $0x80000046;
	[dreg:$0x1] =	wrdreg $0xFFFFFFFF  }
0xa9: {  	s28 =	simm.s32 $_size_execute0_lowered;
	s5 =	sadd.s32 s5, s6;
	[dreg:$0x0] =	wrdreg $0x0  }
0xaa: {  	s6 =	sshll.u32 s28, $0x1;
	[dreg:$0x2] =	wrdreg s5  }
0xab: {  	[dreg:$0x3] =	wrdreg s6  }
0xac: {  	[dreg:$0x4] =	wrdreg $0xC0  }
0xad: {  	_ =	task [dreg:s9], $0x5FFFF  }
0xae: {  	[dreg:$0x1] =	wrdreg $0xFFFFFFFF  }
0xaf: {  	[dreg:$0x0] =	wrdreg $0x60  }
0xb0: {  	[dreg:$0x2] =	wrdreg s2  }
0xb1: {  	[dreg:$0x3] =	wrdreg s19  }
0xb2: {  	[dreg:$0x4] =	wrdreg s4  }
0xb3: {  	[dreg:$0x5] =	wrdreg $0x9  }
0xb4: {  	_ =	task.clear_ibuf [dreg:s9], $0x6FFFF;
	_ =	strace $0x90000046  }
0xb5: {  	s29 =	simm.s32 $0x9;
	_ =	strace $0x80000048  }
0xb6: {  	_ =	swait.ge [sflag:s29], $0x1  }
0xb7: {  	[sflag:s29] =	ssyncadd.s32 $0xFFFFFFFF  }
0xb8: {  	_ =	strace $0x90000048  }
0xb9: {  	_ =	sfence  }
0xba: {  	s30 =	sld [smem:$0x0];
	_ =	sdelay $0x2  }
0xbb: {  	s31 =	sshll.u32 s1, $0xD;
	s1 =	sshrl.u32 s1, $0x2  }
0xbc: {  	s3 =	sand.u32 $0x4000, s31;
	s1 =	sadd.s32 s1, s30  }
0xbd: {  	s0 =	sor.u32 s3, s0;
	s1 =	sshll.u32 s1, $0x11  }
0xbe: {  	s0 =	sor.u32 s1, s0  }
0xbf: {  	s0 =	sadd.s32 $0x8F2B, s0  }
0xc0: {  	[sflag:s0] =	ssyncadd.remote.s32 $0x1  }
0xc1: {  	_ =	sfence.sel $0xFFFF  }
0xc2: {  	[dreg:$0x0] =	wrdreg $0xFFFFFFFF;
	(pc) =	sbr.abs _section_cstart, $3  }
0xc3: {  	[dreg:$0x1] =	wrdreg $0xFFFFFFFF  }
0xc4: {  	_ =	task.clear_ibuf [dreg:s9], $0x2FFFF;
	_ =	strace $0x9FFFFFFF  }
0xc5: {  	(tm) =	ssettm $0x7FFFFFFF  }
tec
execute0_lowered:
.L_overlay_start_1:
0x0: {  	(tag) =	ssettag $0x1  }
0x1: {  	s0 =	rddreg [dreg:$0x0]  }
0x2: {  	s1 =	rddreg [dreg:$0x1]  }
0x3: {  	s9 =	rddreg [dreg:$0x2]  }
0x4: {  	s3 =	srdreg.scid;
	s2 =	simm.s32 $0x0;
	s7 =	stileid.u32  }
0x5: {  	s14 =	simm.s32 $0x4;
	s15 =	simm.s32 $0x80;
	s16 =	simm.s32 $0x1C00  }
0x6: {  	s28 =	simm.s32 $0x3;
	s29 =	simm.s32 $0x1;
	s30 =	simm.s32 $0x2  }
0x7: {  	s31 =	simm.s32 $0x0;
	s3 =	sand.u32 $0x1, s3;
	[smem:$0x7FF] =	sst s2  }
0x8: {  	s17 =	sshll.u32 s7, $0x8;
	s7 =	sshll.u32 s7, $0xF;
	s4 =	ssub.s32 $0x2, s3  }
0x9: {  	s18 =	sshll.u32 s3, $0x7;
	s3 =	sshll.u32 s3, $0xE;
	s5 =	sshrl.u32 s4, $0x1  }
0xa: {  	_ =	strace $0x80000047;
	s10 =	sor.u32 s3, s7;
	s6 =	ssub.s32 s4, s5  }
0xb: {  	s5 =	sor.u32 s18, s17;
	s3 =	sor.u32 $0x200000, s10;
	s22 =	sor.u32 $0x180000, s10  }
0xc: {  	s23 =	sor.u32 $0x100000, s10;
	s11 =	sor.u32 $0x80000, s10;
	s26 =	sshrl.u32 s10, $0x3  }
0xd: {  	s4 =	sadd.s32 s0, s5;
	s19 =	sshll.u32 s5, $0x4;
	s20 =	smax.u32 s6, $0x1  }
0xe: {  	s3 =	sshrl.u32 s3, $0x3;
	s24 =	sshrl.u32 s23, $0x3;
	s25 =	sshrl.u32 s11, $0x3  }
0xf: {  	s23 =	simm.s32 $0x11C00;
	[dreg:$0x4] =	wrdreg s4;
	s0 =	sadd.s32 s19, s9  }
.Ltmp0:
0x10: {  	[dreg:$0x5] =	wrdreg s20;
	s21 =	sadd.s32 s3, s9;
	(pc) =	sbr.rel .LBB2_1-.Ltmp0, $4  }
0x11: {  	s7 =	sadd.s32 $0x2E0000, s0;
	s8 =	sadd.s32 $0x300000, s0;
	s0 =	sshrl.u32 s22, $0x3  }
0x12: {  	s5 =	sadd.s32 $0x1000, s4;
	[dreg:$0x6] =	wrdreg s21;
	s0 =	sadd.s32 s0, s9  }
0x13: {  	s3 =	sadd.s32 s25, s9;
	[dreg:$0x7] =	wrdreg s0;
	s0 =	sadd.s32 s24, s9  }
0x14: {  	s19 =	simm.s32 $0x9C00;
	[dreg:$0x8] =	wrdreg s0;
	s0 =	sadd.s32 s26, s9  }
.LBB2_4:
0x15: {  	_ =	swait.ge [sflag:s30], $0x4000  }
0x16: {  	[sflag:s30] =	ssyncset.done $0x0  }
0x17: {  	[sflag:s30] =	ssyncadd.s32 $0xFFFFC000  }
0x18: {  	_ =	swait.ge [sflag:s30], $0x4000  }
0x19: {  	[sflag:s30] =	ssyncset.done $0x0  }
0x1a: {  	[sflag:s30] =	ssyncadd.s32 $0xFFFFC000  }
0x1b: {  	_ =	swait.ge [sflag:s30], $0x4000  }
0x1c: {  	[sflag:s30] =	ssyncset.done $0x0  }
0x1d: {  	[sflag:s30] =	ssyncadd.s32 $0xFFFFC000  }
0x1e: {  	_ =	swait.ge [sflag:s30], $0x4000  }
0x1f: {  	s31 =	sadd.s32 $0x1, s31;
	s4 =	rddreg [dreg:$0x5]  }
0x20: {  	p0 =	sne.s32 s31, s4  }
.Ltmp1:
0x21: {  	_ = 	snop;
	(pc) =	sbr.rel @!p0 .LBB2_5-.Ltmp1, $3  }
0x22: {  	_ =	sdelay $0x1  }
0x23: {  	[sflag:s30] =	ssyncset.done $0x0  }
0x24: {  	[sflag:s30] =	ssyncadd.s32 $0xFFFFC000  }
.LBB2_1:
0x25: {  	s4 =	rddreg [dreg:$0x4]  }
0x26: {  	[tilespmem:s2], [sflag:$0x4] =	stream.linear.gather [hbm4b:s4+s2], $0x400, $0x38;
	[tilespmem:$0x15C00] =	vst v63  }
0x27: {  	_ =	swait.ge [sflag:s14], $0x400  }
0x28: {  	[sflag:s14] =	ssyncset.done $0x0  }
0x29: {  	[sflag:s14] =	ssyncadd.s32 $0xFFFFFC00  }
0x2a: {  	[tilespmem:s16], [sflag:$0x1] =	stream.indirect.gather [hbm4b:s1+s15], $0x80, s2, s15, $0xb8;
	[tilespmem:$0x15C00] =	vst v63  }
0x2b: {  	s18 =	simm.s32 $0x5C00  }
0x2c: {  	[tilespmem:s18], [sflag:$0x1] =	stream.indirect.gather [hbm4b:s1+s15], $0x80, s15, s15, $0xb8;
	[tilespmem:$0x15C00] =	vst v63  }
0x2d: {  	s20 =	simm.s32 $0x100  }
0x2e: {  	[tilespmem:s19], [sflag:$0x1] =	stream.indirect.gather [hbm4b:s1+s15], $0x80, s20, s15, $0xb8;
	[tilespmem:$0x15C00] =	vst v63  }
0x2f: {  	s21 =	simm.s32 $0x180;
	s6 =	simm.s32 $0xDC00  }
0x30: {  	[tilespmem:s6], [sflag:$0x1] =	stream.indirect.gather [hbm4b:s1+s15], $0x80, s21, s15, $0xb8;
	[tilespmem:$0x15C00] =	vst v63  }
0x31: {  	s22 =	simm.s32 $0x200  }
0x32: {  	[tilespmem:s23], [sflag:$0x1] =	stream.indirect.gather [hbm4b:s1+s15], $0x80, s22, s15, $0xb8;
	[tilespmem:$0x15C00] =	vst v63  }
0x33: {  	s24 =	simm.s32 $0x8000;
	s25 =	simm.s32 $0x400  }
0x34: {  	[tilespmem:s25], [sflag:$0x3] =	stream.strided.gather [hbm4b:s5+s25], $0x1400, s24, s25, $0x38;
	[tilespmem:$0x15C00] =	vst v63  }
0x35: {  	s9 =	sadd.s32 $0x5000, s5;
	s26 =	simm.s32 $0x1800  }
0x36: {  	[tilespmem:s26], [sflag:$0x3] =	stream.linear.gather [hbm4b:s9+s2], $0x100, $0x38;
	[tilespmem:$0x15C00] =	vst v63  }
0x37: {  	_ =	swait.ge [sflag:s28], $0x1500  }
0x38: {  	s13 =	smov.u32 s0;
	s11 =	rddreg [dreg:$0x8]  }
0x39: {  	s12 =	smov.u32 s3;
	[sflag:s28] =	ssyncset.done $0x0;
	s10 =	rddreg [dreg:$0x7]  }
0x3a: {  	s21 =	simm.s32 $0x0;
	s9 =	rddreg [dreg:$0x6];
	[sflag:s28] =	ssyncadd.s32 $0xFFFFEB00  }
.LBB2_2:
0x3b: {  	_ =	swait.ge [sflag:s29], $0x4000  }
0x3c: {  	p0 =	seq.s32 s21, $0x5A00;
	[sflag:s29] =	ssyncset.done $0x0  }
0x3d: {  	s22 =	simm.s32 @p0 $0x1;
	[sflag:s29] =	ssyncadd.s32 $0xFFFFC000  }
0x3e: {  	[hbm4b:s13+s2] =	stream.linear.scatter [tilespmem:s16], [sflag:$0x2], $0x4000, $0x38;
	[tilespmem:$0x15C00] =	vst v63  }
0x3f: {  	_ =	swait.ge @p0 [sflag:s22], $0x4000  }
0x40: {  	[sflag:s22] =	ssyncset.done @p0 $0x0  }
0x41: {  	s24 =	simm.s32 @p0 $0x0;
	s25 =	simm.s32 @p0 $0x5C00;
	[sflag:s22] =	ssyncadd.s32 @p0 $0xFFFFC000  }
0x42: {  	[hbm4b:s7+s24] =	stream.linear.scatter @p0 [tilespmem:s25], [sflag:$0x2], $0x4000, $0x38;
	[tilespmem:$0x15C00] =	vst v63  }
0x43: {  	s25 =	simm.s32 @!p0 $0x2  }
0x44: {  	_ =	swait.ge @!p0 [sflag:s25], $0x4000  }
0x45: {  	s26 =	sshra.s32 @!p0 s21, $0x2;
	s6 =	simm.s32 @!p0 $0x80;
	[sflag:s25] =	ssyncset.done @!p0 $0x0  }
0x46: {  	s20 =	simm.s32 @!p0 $0x1C00;
	s4 =	sadd.s32 @!p0 $0x280, s26;
	[sflag:s25] =	ssyncadd.s32 @!p0 $0xFFFFC000  }
0x47: {  	[tilespmem:s20], [sflag:$0x1] =	stream.indirect.gather @!p0 [hbm4b:s1+s6], $0x80, s4, s6, $0xb8;
	[tilespmem:$0x15C00] =	vst v63  }
0x48: {  	s4 =	simm.s32 @!p0 $0x1  }
0x49: {  	_ =	swait.ge @!p0 [sflag:s4], $0x4000  }
0x4a: {  	[sflag:s4] =	ssyncset.done @!p0 $0x0  }
0x4b: {  	s18 =	simm.s32 @!p0 $0x5C00;
	s20 =	simm.s32 @!p0 $0x0;
	[sflag:s4] =	ssyncadd.s32 @!p0 $0xFFFFC000  }
0x4c: {  	[hbm4b:s12+s20] =	stream.linear.scatter @!p0 [tilespmem:s18], [sflag:$0x2], $0x4000, $0x38;
	[tilespmem:$0x15C00] =	vst v63  }
0x4d: {  	_ =	swait.ge @!p0 [sflag:s25], $0x4000  }
0x4e: {  	[sflag:s25] =	ssyncset.done @!p0 $0x0  }
0x4f: {  	s17 =	sadd.s32 @!p0 $0x300, s26;
	[sflag:s25] =	ssyncadd.s32 @!p0 $0xFFFFC000  }
0x50: {  	[tilespmem:s18], [sflag:$0x1] =	stream.indirect.gather @!p0 [hbm4b:s1+s6], $0x80, s17, s6, $0xb8;
	[tilespmem:$0x15C00] =	vst v63  }
0x51: {  	_ =	swait.ge [sflag:s29], $0x4000  }
0x52: {  	[sflag:s29] =	ssyncset.done $0x0  }
0x53: {  	[sflag:s29] =	ssyncadd.s32 $0xFFFFC000  }
0x54: {  	[hbm4b:s11+s2] =	stream.linear.scatter [tilespmem:s19], [sflag:$0x2], $0x4000, $0x38;
	[tilespmem:$0x15C00] =	vst v63  }
0x55: {  	_ =	swait.ge @p0 [sflag:s22], $0x4000  }
0x56: {  	[sflag:s22] =	ssyncset.done @p0 $0x0  }
0x57: {  	s17 =	simm.s32 @p0 $0xDC00;
	[sflag:s22] =	ssyncadd.s32 @p0 $0xFFFFC000  }
0x58: {  	[hbm4b:s8+s24] =	stream.linear.scatter @p0 [tilespmem:s17], [sflag:$0x2], $0x4000, $0x38;
	[tilespmem:$0x15C00] =	vst v63  }
0x59: {  	_ =	swait.ge @!p0 [sflag:s25], $0x4000  }
0x5a: {  	[sflag:s25] =	ssyncset.done @!p0 $0x0  }
0x5b: {  	s18 =	simm.s32 @!p0 $0x9C00;
	s17 =	sadd.s32 @!p0 $0x380, s26;
	[sflag:s25] =	ssyncadd.s32 @!p0 $0xFFFFC000  }
0x5c: {  	[tilespmem:s18], [sflag:$0x1] =	stream.indirect.gather @!p0 [hbm4b:s1+s6], $0x80, s17, s6, $0xb8;
	[tilespmem:$0x15C00] =	vst v63  }
0x5d: {  	_ =	swait.ge @!p0 [sflag:s4], $0x4000  }
0x5e: {  	[sflag:s4] =	ssyncset.done @!p0 $0x0  }
0x5f: {  	[sflag:s4] =	ssyncadd.s32 @!p0 $0xFFFFC000;
	s4 =	simm.s32 @!p0 $0xDC00  }
0x60: {  	[hbm4b:s10+s20] =	stream.linear.scatter @!p0 [tilespmem:s4], [sflag:$0x2], $0x4000, $0x38;
	[tilespmem:$0x15C00] =	vst v63  }
0x61: {  	_ =	swait.ge @!p0 [sflag:s25], $0x4000  }
0x62: {  	[sflag:s25] =	ssyncset.done @!p0 $0x0  }
0x63: {  	s17 =	sadd.s32 @!p0 $0x400, s26;
	[sflag:s25] =	ssyncadd.s32 @!p0 $0xFFFFC000  }
0x64: {  	[tilespmem:s4], [sflag:$0x1] =	stream.indirect.gather @!p0 [hbm4b:s1+s6], $0x80, s17, s6, $0xb8;
	[tilespmem:$0x15C00] =	vst v63  }
0x65: {  	_ =	swait.ge [sflag:s29], $0x4000  }
0x66: {  	[sflag:s29] =	ssyncset.done $0x0  }
.Ltmp2:
0x67: {  	[sflag:s29] =	ssyncadd.s32 $0xFFFFC000;
	(pc) =	sbr.rel @p0 .LBB2_4-.Ltmp2, $4  }
0x68: {  	[hbm4b:s9+s2] =	stream.linear.scatter [tilespmem:s23], [sflag:$0x2], $0x4000, $0x38;
	[tilespmem:$0x15C00] =	vst v63  }
0x69: {  	_ =	swait.ge [sflag:s30], $0x4000  }
0x6a: {  	[sflag:s30] =	ssyncset.done $0x0  }
0x6b: {  	[sflag:s30] =	ssyncadd.s32 $0xFFFFC000  }
.Ltmp3:
0x6c: {  	(pc) =	sbr.rel .LBB2_2-.Ltmp3, $4  }
0x6d: {  	s4 =	sshra.s32 s21, $0x2;
	s21 =	sadd.s32 $0xA00, s21  }
0x6e: {  	s9 =	sadd.s32 $0x50000, s9;
	s10 =	sadd.s32 $0x50000, s10;
	s11 =	sadd.s32 $0x50000, s11  }
0x6f: {  	s12 =	sadd.s32 $0x50000, s12;
	s13 =	sadd.s32 $0x50000, s13;
	s4 =	sadd.s32 $0x480, s4  }
0x70: {  	[tilespmem:s23], [sflag:$0x1] =	stream.indirect.gather [hbm4b:s1+s15], $0x80, s4, s15, $0xb8;
	[tilespmem:$0x15C00] =	vst v63  }
.LBB2_5:
0x71: {  	_ =	sfence.sel $0x180000  }
0x72: {  	[bflag:$0x0] =	sbarrier.arrive $0xFFFF  }
0x73: {  	_ =	strace $0x90000047  }
0x74: {  	s0 =	stileid.u32;
	[bflag:$0x2] =	sbarrier.arrive $0xFFFF  }
0x75: {  	p0 =	sne.s32 s0, $0x0;
	s0 =	rddreg [dreg:$0x3]  }
0x76: {  	s0 =	sadd.s32 @!p0 $0x100000, s0  }
0x77: {  	[sflag:s0] =	ssyncadd.tile.s32 @!p0 $0x1;
	_ =	shalt  }
.Lfunc_end2:
_tile_overlayer_lowered:
.L_overlay_start_2:
0x78: {  	(tag) =	ssettag $0x2  }
0x79: {  	s0 =	rddreg [dreg:$0x0];
	s2 =	stileid.u32  }
0x7a: {  	s1 =	rddreg [dreg:$0x1];
	p0 =	sne.s32 s2, $0x0  }
0x7b: {  	s3 =	rddreg [dreg:$0x2];
	[bflag:$0x3] =	sbarrier.arrive $0xFFFF;
	s2 =	simm.s32 @!p0 $0x1C04  }
0x7c: {  	[timem:s3], [sflag:s2] =	dma.local @!p0 [hbm:s0], s1  }
0x7d: {  	s0 =	simm.s32 @!p0 $0x4  }
0x7e: {  	_ =	swait.ge @!p0 [sflag:s0], s1  }
0x7f: {  	s1 =	ssub.s32 @!p0 $0x0, s1;
	[sflag:s0] =	ssyncset.done @!p0 $0x0  }
0x80: {  	[sflag:s0] =	ssyncadd.s32 @!p0 s1  }
0x81: {  	[bflag:$0x3] =	sbarrier.arrive $0xFFFF  }
0x82: {  	_ =	shalt  }

</sc_bundles>
